<compile_context>
chip_gen: v7x
topology: tpu7x:2x2x1
jax: 0.10.2.dev20260603
libtpu: 0.0.44.dev20260713+nightly
codegen_flags: <defaults>
</compile_context>

<pallas_src>
import jax
import jax.numpy as jnp
from jax import lax
from jax.experimental import pallas as pl
from jax.experimental.pallas import tpu as pltpu
from jax.experimental.pallas import tpu_sc as plsc

N_ENT = 100000
N_REL = 500
D = 128
BATCH = 16384
N_DAY = 368

NC = 2
NS = 16
NW = NC * NS
ROWS_PER_W = BATCH // NW
CHUNK = 128
NCHUNK = ROWS_PER_W // CHUNK
NBUF = 7
NGATHER = 3


def _sc_gather_body(ht_hbm, e1_hbm, e2_hbm,
                    o_hr, o_tr, o_hi, o_ti,
                    idx_ht, bufs, gsems, ssems):
    c = lax.axis_index("c")
    s = lax.axis_index("s")
    wid = s * NC + c
    base = wid * ROWS_PER_W

    pltpu.sync_copy(ht_hbm.at[wid], idx_ht)

    seq = [(e1_hbm, 0, o_hr), (e1_hbm, NCHUNK, o_tr),
           (e2_hbm, 0, o_hi), (e2_hbm, NCHUNK, o_ti)]
    transfers = [(tbl, off + j, out, j) for (tbl, off, out) in seq
                 for j in range(NCHUNK)]
    n = len(transfers)
    gh = [None] * NBUF
    sh = [None] * NBUF

    def start_gather(g):
        tbl, row, out, j = transfers[g]
        b = g % NBUF
        gh[b] = pltpu.async_copy(tbl.at[idx_ht.at[row]], bufs[b], gsems[b])

    for g in range(NGATHER):
        start_gather(g)
    for k in range(n):
        b = k % NBUF
        gh[b].wait()
        tbl, row, out, j = transfers[k]
        sh[b] = pltpu.async_copy(bufs[b], out.at[pl.ds(base + j * CHUNK, CHUNK)],
                                 ssems[b])
        g = k + NGATHER
        if g < n:
            bg = g % NBUF
            if sh[bg] is not None:
                sh[bg].wait()
                sh[bg] = None
            start_gather(g)
    for b in range(NBUF):
        if sh[b] is not None:
            sh[b].wait()


def _sc_gather(ht_r, e1, e2):
    out = jax.ShapeDtypeStruct((BATCH, D), jnp.float32)
    return pl.kernel(
        _sc_gather_body,
        out_type=[out, out, out, out],
        mesh=plsc.VectorSubcoreMesh(core_axis_name="c", subcore_axis_name="s"),
        scratch_types=[
            pltpu.VMEM((2 * NCHUNK, CHUNK), jnp.int32),
            [pltpu.VMEM((CHUNK, D), jnp.float32) for _ in range(NBUF)],
            [pltpu.SemaphoreType.DMA for _ in range(NBUF)],
            [pltpu.SemaphoreType.DMA for _ in range(NBUF)],
        ],
    )(ht_r, e1, e2)


def _trig_body(w_ref, t_ref):
    dayf = lax.broadcasted_iota(jnp.int32, (N_DAY, D), 0).astype(jnp.float32)
    phase = dayf * w_ref[...]
    t_ref[:, :D] = jnp.cos(phase).astype(jnp.bfloat16)
    t_ref[:, D:] = jnp.sin(phase).astype(jnp.bfloat16)


def _trig_tables(w2):
    out = jax.ShapeDtypeStruct((N_DAY, 2 * D), jnp.bfloat16)
    return pl.pallas_call(_trig_body, out_shape=out)(w2)


BLK = 1024
NB = BATCH // BLK
_DIMS0 = (((0,), (0,)), ((), ()))


def _tc_rel_body(rels_ref, day_ref, relcat_ref, trig_ref, or_ref, oi_ref):
    rels = rels_ref[0]
    day = day_ref[0]
    oh_rel = (rels == lax.broadcasted_iota(jnp.int32, (N_REL, BLK), 0)
              ).astype(jnp.bfloat16)
    oh_day = (day == lax.broadcasted_iota(jnp.int32, (N_DAY, BLK), 0)
              ).astype(jnp.bfloat16)
    rr = lax.dot_general(oh_rel, relcat_ref[...], _DIMS0,
                         preferred_element_type=jnp.float32)
    tt = lax.dot_general(oh_day, trig_ref[...], _DIMS0,
                         preferred_element_type=jnp.float32)
    r1 = rr[:, :D]
    r2 = rr[:, D:]
    d_real = tt[:, :D]
    d_img = tt[:, D:]
    or_ref[...] = d_real * r1 - d_img * r2
    oi_ref[...] = d_real * r2 + d_img * r1


def _tc_rel(rels3, day3, relcat, trig):
    out = jax.ShapeDtypeStruct((BATCH, D), jnp.float32)
    return pl.pallas_call(
        _tc_rel_body,
        grid=(NB,),
        in_specs=[
            pl.BlockSpec((1, 1, BLK), lambda i: (i, 0, 0)),
            pl.BlockSpec((1, 1, BLK), lambda i: (i, 0, 0)),
            pl.BlockSpec((N_REL, 2 * D), lambda i: (0, 0)),
            pl.BlockSpec((N_DAY, 2 * D), lambda i: (0, 0)),
        ],
        out_specs=[
            pl.BlockSpec((BLK, D), lambda i: (i, 0)),
            pl.BlockSpec((BLK, D), lambda i: (i, 0)),
        ],
        out_shape=[out, out],
    )(rels3, day3, relcat, trig)


def kernel(heads, rels, tails, day, ent_emb1, ent_emb2, rel_emb1, rel_emb2, w):
    ht_r = jnp.concatenate(
        [heads.astype(jnp.int32).reshape(NW, NCHUNK, CHUNK),
         tails.astype(jnp.int32).reshape(NW, NCHUNK, CHUNK)], axis=1)
    rels3 = rels.astype(jnp.int32).reshape(NB, 1, BLK)
    day3 = day.astype(jnp.int32).reshape(NB, 1, BLK)
    w2 = w.reshape(1, D)

    h_r, t_r, h_i, t_i = _sc_gather(ht_r, ent_emb1, ent_emb2)
    trig = _trig_tables(w2)
    relcat = jnp.concatenate([rel_emb1, rel_emb2], axis=1).astype(jnp.bfloat16)
    r_r, r_i = _tc_rel(rels3, day3, relcat, trig)
    return (h_r, r_r, t_r, h_i, r_i, t_i)

# --- scband reference (transcript-rebuilt; emitter-appended) ---
"""Pipeline reference for scband-no-name-61546881352028 (READ-ONLY COPY).

The authoritative reference and input builder live on the scoring server;
editing this copy changes nothing except your own understanding.
"""

import jax, jax.numpy as jnp
import numpy as np

N_ENT = 100000
N_REL = 500
D_MODEL = 128
BATCH = 16384

def setup_inputs(seed: int = 0) -> dict:
    key = jax.random.key(seed)
    k1, k2, k3, k4, k5, k6, k7, k8 = jax.random.split(key, 8)
    heads = jax.random.randint(k1, (BATCH,), 0, N_ENT)
    rels = jax.random.randint(k2, (BATCH,), 0, N_REL)
    tails = jax.random.randint(k3, (BATCH,), 0, N_ENT)
    day = jax.random.randint(k4, (BATCH,), 0, 366)
    # learned parameters: two entity tables, two relation tables (encoder1/encoder2), and the frequency vector w
    ent_emb1 = jax.random.normal(k5, (N_ENT, D_MODEL), dtype=jnp.float32) * 0.02
    ent_emb2 = jax.random.normal(k6, (N_ENT, D_MODEL), dtype=jnp.float32) * 0.02
    rel_emb1 = jax.random.normal(k7, (N_REL, D_MODEL), dtype=jnp.float32) * 0.02
    rel_emb2 = jax.random.normal(k8, (N_REL, D_MODEL), dtype=jnp.float32) * 0.02
    w = jnp.asarray(1.0 / (10.0 ** np.linspace(0, 9, D_MODEL)), dtype=jnp.float32)
    return {"heads": heads, "rels": rels, "tails": tails, "day": day,
            "ent_emb1": ent_emb1, "ent_emb2": ent_emb2,
            "rel_emb1": rel_emb1, "rel_emb2": rel_emb2, "w": w}

def reference(heads, rels, tails, day, ent_emb1, ent_emb2, rel_emb1, rel_emb2, w):
    dayf = day.astype(jnp.float32)
    d_img = jnp.sin(w[None, :] * dayf[:, None])
    d_real = jnp.cos(w[None, :] * dayf[:, None])
    r1 = jnp.take(rel_emb1, rels, axis=0)
    r2 = jnp.take(rel_emb2, rels, axis=0)
    rels_embeds_real = d_real * r1 - d_img * r2
    rels_embeds_img = d_real * r2 + d_img * r1
    heads_embeds_real = jnp.take(ent_emb1, heads, axis=0)
    tails_embeds_real = jnp.take(ent_emb1, tails, axis=0)
    heads_embeds_img = jnp.take(ent_emb2, heads, axis=0)
    tails_embeds_img = jnp.take(ent_emb2, tails, axis=0)
    return (heads_embeds_real, rels_embeds_real, tails_embeds_real,
            heads_embeds_img, rels_embeds_img, tails_embeds_img)

if __name__ == "__main__":
    import jax
    _d = setup_inputs()
    print(jax.jit(kernel)(*tuple(_d.values())))

</pallas_src>

<mosaic_0001>
#map = affine_map<(d0, d1) -> (0, 0, 0)>
#map1 = affine_map<(d0, d1) -> (0, 0)>
module attributes {stable_mosaic.version = 14 : i64} {
  func.func @_sc_gather_body(%arg0: i32, %arg1: i32, %arg2: memref<32x8x128xi32, #tpu.memory_space<hbm>>, %arg3: memref<100000x128xf32, #tpu.memory_space<hbm>>, %arg4: memref<100000x128xf32, #tpu.memory_space<hbm>>, %arg5: memref<16384x128xf32, #tpu.memory_space<hbm>>, %arg6: memref<16384x128xf32, #tpu.memory_space<hbm>>, %arg7: memref<16384x128xf32, #tpu.memory_space<hbm>>, %arg8: memref<16384x128xf32, #tpu.memory_space<hbm>>, %arg9: memref<8x128xi32, #tpu.memory_space<vmem>>, %arg10: memref<128x128xf32, #tpu.memory_space<vmem>>, %arg11: memref<128x128xf32, #tpu.memory_space<vmem>>, %arg12: memref<128x128xf32, #tpu.memory_space<vmem>>, %arg13: memref<128x128xf32, #tpu.memory_space<vmem>>, %arg14: memref<128x128xf32, #tpu.memory_space<vmem>>, %arg15: memref<128x128xf32, #tpu.memory_space<vmem>>, %arg16: memref<128x128xf32, #tpu.memory_space<vmem>>, %arg17: memref<!tpu.dma_semaphore, #tpu.memory_space<semaphore_mem>>, %arg18: memref<!tpu.dma_semaphore, #tpu.memory_space<semaphore_mem>>, %arg19: memref<!tpu.dma_semaphore, #tpu.memory_space<semaphore_mem>>, %arg20: memref<!tpu.dma_semaphore, #tpu.memory_space<semaphore_mem>>, %arg21: memref<!tpu.dma_semaphore, #tpu.memory_space<semaphore_mem>>, %arg22: memref<!tpu.dma_semaphore, #tpu.memory_space<semaphore_mem>>, %arg23: memref<!tpu.dma_semaphore, #tpu.memory_space<semaphore_mem>>, %arg24: memref<!tpu.dma_semaphore, #tpu.memory_space<semaphore_mem>>, %arg25: memref<!tpu.dma_semaphore, #tpu.memory_space<semaphore_mem>>, %arg26: memref<!tpu.dma_semaphore, #tpu.memory_space<semaphore_mem>>, %arg27: memref<!tpu.dma_semaphore, #tpu.memory_space<semaphore_mem>>, %arg28: memref<!tpu.dma_semaphore, #tpu.memory_space<semaphore_mem>>, %arg29: memref<!tpu.dma_semaphore, #tpu.memory_space<semaphore_mem>>, %arg30: memref<!tpu.dma_semaphore, #tpu.memory_space<semaphore_mem>>) attributes {dimension_semantics = [#tpu.dimension_semantics<core_parallel>, #tpu.dimension_semantics<subcore_parallel>], iteration_bounds = array<i64: 2, 16>, scalar_prefetch = 0 : i64, scratch_operands = 22 : i64, tpu.core_type = #tpu.core_type<sc_vector_subcore>, window_params = [{transform_indices = #map}, {transform_indices = #map1}, {transform_indices = #map1}, {transform_indices = #map1}, {transform_indices = #map1}, {transform_indices = #map1}, {transform_indices = #map1}]} {
    %mul3A = arith.constant 2 : i32
    %mul3A_0 = arith.muli %arg1, %mul3A : i32
    %add3A = arith.addi %mul3A_0, %arg0 : i32
    %mul3A_1 = arith.constant 512 : i32
    %mul3A_2 = arith.muli %add3A, %mul3A_1 : i32
    "tpu.region"() ({
      %run_scoped3A = tpu.sem_alloc : memref<!tpu.dma_semaphore, #tpu.memory_space<semaphore_mem>>
      %dma_start3A_385 = arith.constant 0 : i32
      %dma_start3A_386 = arith.constant 0 : i32
      %dma_start3A_387 = tpu.memref_slice %arg2[%add3A, %dma_start3A_385, %dma_start3A_386] : memref<32x8x128xi32, #tpu.memory_space<hbm>> -> memref<1x8x128xi32, #tpu.memory_space<hbm>>
      %dma_start3A_388 = tpu.memref_squeeze %dma_start3A_387 : memref<1x8x128xi32, #tpu.memory_space<hbm>> -> memref<8x128xi32, #tpu.memory_space<hbm>>
      %dma_start3A_389 = arith.constant 0 : i32
      %dma_start3A_390 = arith.constant 0 : i32
      %dma_start3A_391 = tpu.memref_slice %arg2[%add3A, %dma_start3A_389, %dma_start3A_390] : memref<32x8x128xi32, #tpu.memory_space<hbm>> -> memref<1x8x128xi32, #tpu.memory_space<hbm>>
      %dma_start3A_392 = tpu.memref_squeeze %dma_start3A_391 : memref<1x8x128xi32, #tpu.memory_space<hbm>> -> memref<8x128xi32, #tpu.memory_space<hbm>>
      tpu.enqueue_dma source(%dma_start3A_392 : memref<8x128xi32, #tpu.memory_space<hbm>>) target(%arg9 : memref<8x128xi32, #tpu.memory_space<vmem>>) target_semaphore(%run_scoped3A : memref<!tpu.dma_semaphore, #tpu.memory_space<semaphore_mem>>)
      %dma_wait3A_393 = arith.constant 0 : i32
      %dma_wait3A_394 = arith.constant 0 : i32
      %dma_wait3A_395 = tpu.memref_slice %arg2[%add3A, %dma_wait3A_393, %dma_wait3A_394] : memref<32x8x128xi32, #tpu.memory_space<hbm>> -> memref<1x8x128xi32, #tpu.memory_space<hbm>>
      %dma_wait3A_396 = tpu.memref_squeeze %dma_wait3A_395 : memref<1x8x128xi32, #tpu.memory_space<hbm>> -> memref<8x128xi32, #tpu.memory_space<hbm>>
      %dma_wait3A_397 = arith.constant 0 : i32
      %dma_wait3A_398 = arith.constant 0 : i32
      %dma_wait3A_399 = tpu.memref_slice %arg2[%add3A, %dma_wait3A_397, %dma_wait3A_398] : memref<32x8x128xi32, #tpu.memory_space<hbm>> -> memref<1x8x128xi32, #tpu.memory_space<hbm>>
      %dma_wait3A_400 = tpu.memref_squeeze %dma_wait3A_399 : memref<1x8x128xi32, #tpu.memory_space<hbm>> -> memref<8x128xi32, #tpu.memory_space<hbm>>
      tpu.wait_dma2 semaphore(%run_scoped3A : memref<!tpu.dma_semaphore, #tpu.memory_space<semaphore_mem>>) src(%dma_wait3A_400 : memref<8x128xi32, #tpu.memory_space<hbm>>) dst(%arg9 : memref<8x128xi32, #tpu.memory_space<vmem>>)
      tpu.yield
    }) : () -> ()
    %dma_start3A = arith.constant 0 : i32
    %dma_start3A_3 = arith.constant 0 : i32
    %dma_start3A_4 = tpu.memref_slice %arg9[%dma_start3A, %dma_start3A_3] : memref<8x128xi32, #tpu.memory_space<vmem>> -> memref<1x128xi32, #tpu.memory_space<vmem>>
    %dma_start3A_5 = tpu.memref_squeeze %dma_start3A_4 : memref<1x128xi32, #tpu.memory_space<vmem>> -> memref<128xi32, #tpu.memory_space<vmem>>
    %dma_start3A_6 = arith.constant 0 : i32
    %dma_start3A_7 = arith.constant 0 : i32
    %dma_start3A_8 = tpu.memref_slice %arg3[%dma_start3A_6, %dma_start3A_7] : memref<100000x128xf32, #tpu.memory_space<hbm>> -> memref<100000x128xf32, #tpu.memory_space<hbm>>
    tpu.enqueue_indirect_dma source(%dma_start3A_8 : memref<100000x128xf32, #tpu.memory_space<hbm>>) target(%arg10 : memref<128x128xf32, #tpu.memory_space<vmem>>) offsets(%dma_start3A_5 : memref<128xi32, #tpu.memory_space<vmem>>) semaphore(%arg17 : memref<!tpu.dma_semaphore, #tpu.memory_space<semaphore_mem>>)
    %dma_start3A_9 = arith.constant 1 : i32
    %dma_start3A_10 = arith.constant 0 : i32
    %dma_start3A_11 = tpu.memref_slice %arg9[%dma_start3A_9, %dma_start3A_10] : memref<8x128xi32, #tpu.memory_space<vmem>> -> memref<1x128xi32, #tpu.memory_space<vmem>>
    %dma_start3A_12 = tpu.memref_squeeze %dma_start3A_11 : memref<1x128xi32, #tpu.memory_space<vmem>> -> memref<128xi32, #tpu.memory_space<vmem>>
    %dma_start3A_13 = arith.constant 0 : i32
    %dma_start3A_14 = arith.constant 0 : i32
    %dma_start3A_15 = tpu.memref_slice %arg3[%dma_start3A_13, %dma_start3A_14] : memref<100000x128xf32, #tpu.memory_space<hbm>> -> memref<100000x128xf32, #tpu.memory_space<hbm>>
    tpu.enqueue_indirect_dma source(%dma_start3A_15 : memref<100000x128xf32, #tpu.memory_space<hbm>>) target(%arg11 : memref<128x128xf32, #tpu.memory_space<vmem>>) offsets(%dma_start3A_12 : memref<128xi32, #tpu.memory_space<vmem>>) semaphore(%arg18 : memref<!tpu.dma_semaphore, #tpu.memory_space<semaphore_mem>>)
    %dma_start3A_16 = arith.constant 2 : i32
    %dma_start3A_17 = arith.constant 0 : i32
    %dma_start3A_18 = tpu.memref_slice %arg9[%dma_start3A_16, %dma_start3A_17] : memref<8x128xi32, #tpu.memory_space<vmem>> -> memref<1x128xi32, #tpu.memory_space<vmem>>
    %dma_start3A_19 = tpu.memref_squeeze %dma_start3A_18 : memref<1x128xi32, #tpu.memory_space<vmem>> -> memref<128xi32, #tpu.memory_space<vmem>>
    %dma_start3A_20 = arith.constant 0 : i32
    %dma_start3A_21 = arith.constant 0 : i32
    %dma_start3A_22 = tpu.memref_slice %arg3[%dma_start3A_20, %dma_start3A_21] : memref<100000x128xf32, #tpu.memory_space<hbm>> -> memref<100000x128xf32, #tpu.memory_space<hbm>>
    tpu.enqueue_indirect_dma source(%dma_start3A_22 : memref<100000x128xf32, #tpu.memory_space<hbm>>) target(%arg12 : memref<128x128xf32, #tpu.memory_space<vmem>>) offsets(%dma_start3A_19 : memref<128xi32, #tpu.memory_space<vmem>>) semaphore(%arg19 : memref<!tpu.dma_semaphore, #tpu.memory_space<semaphore_mem>>)
    %dma_wait3A = arith.constant 0 : i32
    %dma_wait3A_23 = arith.constant 0 : i32
    %dma_wait3A_24 = tpu.memref_slice %arg9[%dma_wait3A, %dma_wait3A_23] : memref<8x128xi32, #tpu.memory_space<vmem>> -> memref<1x128xi32, #tpu.memory_space<vmem>>
    %dma_wait3A_25 = tpu.memref_squeeze %dma_wait3A_24 : memref<1x128xi32, #tpu.memory_space<vmem>> -> memref<128xi32, #tpu.memory_space<vmem>>
    %dma_wait3A_26 = arith.constant 0 : i32
    %dma_wait3A_27 = arith.constant 0 : i32
    %dma_wait3A_28 = tpu.memref_slice %arg3[%dma_wait3A_26, %dma_wait3A_27] : memref<100000x128xf32, #tpu.memory_space<hbm>> -> memref<100000x128xf32, #tpu.memory_space<hbm>>
    tpu.wait_indirect_dma semaphore(%arg17 : memref<!tpu.dma_semaphore, #tpu.memory_space<semaphore_mem>>) src(%dma_wait3A_28 : memref<100000x128xf32, #tpu.memory_space<hbm>>) dst(%arg10 : memref<128x128xf32, #tpu.memory_space<vmem>>)
    %add3A_29 = arith.constant 0 : i32
    %add3A_30 = arith.addi %mul3A_2, %add3A_29 : i32
    %dma_start3A_31 = arith.constant 0 : i32
    %dma_start3A_32 = tpu.memref_slice %arg5[%add3A_30, %dma_start3A_31] : memref<16384x128xf32, #tpu.memory_space<hbm>> -> memref<128x128xf32, #tpu.memory_space<hbm>>
    %dma_start3A_33 = arith.constant 0 : i32
    %dma_start3A_34 = tpu.memref_slice %arg5[%add3A_30, %dma_start3A_33] : memref<16384x128xf32, #tpu.memory_space<hbm>> -> memref<128x128xf32, #tpu.memory_space<hbm>>
    tpu.enqueue_dma source(%arg10 : memref<128x128xf32, #tpu.memory_space<vmem>>) target(%dma_start3A_34 : memref<128x128xf32, #tpu.memory_space<hbm>>) target_semaphore(%arg24 : memref<!tpu.dma_semaphore, #tpu.memory_space<semaphore_mem>>)
    %dma_start3A_35 = arith.constant 3 : i32
    %dma_start3A_36 = arith.constant 0 : i32
    %dma_start3A_37 = tpu.memref_slice %arg9[%dma_start3A_35, %dma_start3A_36] : memref<8x128xi32, #tpu.memory_space<vmem>> -> memref<1x128xi32, #tpu.memory_space<vmem>>
    %dma_start3A_38 = tpu.memref_squeeze %dma_start3A_37 : memref<1x128xi32, #tpu.memory_space<vmem>> -> memref<128xi32, #tpu.memory_space<vmem>>
    %dma_start3A_39 = arith.constant 0 : i32
    %dma_start3A_40 = arith.constant 0 : i32
    %dma_start3A_41 = tpu.memref_slice %arg3[%dma_start3A_39, %dma_start3A_40] : memref<100000x128xf32, #tpu.memory_space<hbm>> -> memref<100000x128xf32, #tpu.memory_space<hbm>>
    tpu.enqueue_indirect_dma source(%dma_start3A_41 : memref<100000x128xf32, #tpu.memory_space<hbm>>) target(%arg13 : memref<128x128xf32, #tpu.memory_space<vmem>>) offsets(%dma_start3A_38 : memref<128xi32, #tpu.memory_space<vmem>>) semaphore(%arg20 : memref<!tpu.dma_semaphore, #tpu.memory_space<semaphore_mem>>)
    %dma_wait3A_42 = arith.constant 1 : i32
    %dma_wait3A_43 = arith.constant 0 : i32
    %dma_wait3A_44 = tpu.memref_slice %arg9[%dma_wait3A_42, %dma_wait3A_43] : memref<8x128xi32, #tpu.memory_space<vmem>> -> memref<1x128xi32, #tpu.memory_space<vmem>>
    %dma_wait3A_45 = tpu.memref_squeeze %dma_wait3A_44 : memref<1x128xi32, #tpu.memory_space<vmem>> -> memref<128xi32, #tpu.memory_space<vmem>>
    %dma_wait3A_46 = arith.constant 0 : i32
    %dma_wait3A_47 = arith.constant 0 : i32
    %dma_wait3A_48 = tpu.memref_slice %arg3[%dma_wait3A_46, %dma_wait3A_47] : memref<100000x128xf32, #tpu.memory_space<hbm>> -> memref<100000x128xf32, #tpu.memory_space<hbm>>
    tpu.wait_indirect_dma semaphore(%arg18 : memref<!tpu.dma_semaphore, #tpu.memory_space<semaphore_mem>>) src(%dma_wait3A_48 : memref<100000x128xf32, #tpu.memory_space<hbm>>) dst(%arg11 : memref<128x128xf32, #tpu.memory_space<vmem>>)
    %add3A_49 = arith.constant 128 : i32
    %add3A_50 = arith.addi %mul3A_2, %add3A_49 : i32
    %dma_start3A_51 = arith.constant 0 : i32
    %dma_start3A_52 = tpu.memref_slice %arg5[%add3A_50, %dma_start3A_51] : memref<16384x128xf32, #tpu.memory_space<hbm>> -> memref<128x128xf32, #tpu.memory_space<hbm>>
    %dma_start3A_53 = arith.constant 0 : i32
    %dma_start3A_54 = tpu.memref_slice %arg5[%add3A_50, %dma_start3A_53] : memref<16384x128xf32, #tpu.memory_space<hbm>> -> memref<128x128xf32, #tpu.memory_space<hbm>>
    tpu.enqueue_dma source(%arg11 : memref<128x128xf32, #tpu.memory_space<vmem>>) target(%dma_start3A_54 : memref<128x128xf32, #tpu.memory_space<hbm>>) target_semaphore(%arg25 : memref<!tpu.dma_semaphore, #tpu.memory_space<semaphore_mem>>)
    %dma_start3A_55 = arith.constant 4 : i32
    %dma_start3A_56 = arith.constant 0 : i32
    %dma_start3A_57 = tpu.memref_slice %arg9[%dma_start3A_55, %dma_start3A_56] : memref<8x128xi32, #tpu.memory_space<vmem>> -> memref<1x128xi32, #tpu.memory_space<vmem>>
    %dma_start3A_58 = tpu.memref_squeeze %dma_start3A_57 : memref<1x128xi32, #tpu.memory_space<vmem>> -> memref<128xi32, #tpu.memory_space<vmem>>
    %dma_start3A_59 = arith.constant 0 : i32
    %dma_start3A_60 = arith.constant 0 : i32
    %dma_start3A_61 = tpu.memref_slice %arg3[%dma_start3A_59, %dma_start3A_60] : memref<100000x128xf32, #tpu.memory_space<hbm>> -> memref<100000x128xf32, #tpu.memory_space<hbm>>
    tpu.enqueue_indirect_dma source(%dma_start3A_61 : memref<100000x128xf32, #tpu.memory_space<hbm>>) target(%arg14 : memref<128x128xf32, #tpu.memory_space<vmem>>) offsets(%dma_start3A_58 : memref<128xi32, #tpu.memory_space<vmem>>) semaphore(%arg21 : memref<!tpu.dma_semaphore, #tpu.memory_space<semaphore_mem>>)
    %dma_wait3A_62 = arith.constant 2 : i32
    %dma_wait3A_63 = arith.constant 0 : i32
    %dma_wait3A_64 = tpu.memref_slice %arg9[%dma_wait3A_62, %dma_wait3A_63] : memref<8x128xi32, #tpu.memory_space<vmem>> -> memref<1x128xi32, #tpu.memory_space<vmem>>
    %dma_wait3A_65 = tpu.memref_squeeze %dma_wait3A_64 : memref<1x128xi32, #tpu.memory_space<vmem>> -> memref<128xi32, #tpu.memory_space<vmem>>
    %dma_wait3A_66 = arith.constant 0 : i32
    %dma_wait3A_67 = arith.constant 0 : i32
    %dma_wait3A_68 = tpu.memref_slice %arg3[%dma_wait3A_66, %dma_wait3A_67] : memref<100000x128xf32, #tpu.memory_space<hbm>> -> memref<100000x128xf32, #tpu.memory_space<hbm>>
    tpu.wait_indirect_dma semaphore(%arg19 : memref<!tpu.dma_semaphore, #tpu.memory_space<semaphore_mem>>) src(%dma_wait3A_68 : memref<100000x128xf32, #tpu.memory_space<hbm>>) dst(%arg12 : memref<128x128xf32, #tpu.memory_space<vmem>>)
    %add3A_69 = arith.constant 256 : i32
    %add3A_70 = arith.addi %mul3A_2, %add3A_69 : i32
    %dma_start3A_71 = arith.constant 0 : i32
    %dma_start3A_72 = tpu.memref_slice %arg5[%add3A_70, %dma_start3A_71] : memref<16384x128xf32, #tpu.memory_space<hbm>> -> memref<128x128xf32, #tpu.memory_space<hbm>>
    %dma_start3A_73 = arith.constant 0 : i32
    %dma_start3A_74 = tpu.memref_slice %arg5[%add3A_70, %dma_start3A_73] : memref<16384x128xf32, #tpu.memory_space<hbm>> -> memref<128x128xf32, #tpu.memory_space<hbm>>
    tpu.enqueue_dma source(%arg12 : memref<128x128xf32, #tpu.memory_space<vmem>>) target(%dma_start3A_74 : memref<128x128xf32, #tpu.memory_space<hbm>>) target_semaphore(%arg26 : memref<!tpu.dma_semaphore, #tpu.memory_space<semaphore_mem>>)
    %dma_start3A_75 = arith.constant 5 : i32
    %dma_start3A_76 = arith.constant 0 : i32
    %dma_start3A_77 = tpu.memref_slice %arg9[%dma_start3A_75, %dma_start3A_76] : memref<8x128xi32, #tpu.memory_space<vmem>> -> memref<1x128xi32, #tpu.memory_space<vmem>>
    %dma_start3A_78 = tpu.memref_squeeze %dma_start3A_77 : memref<1x128xi32, #tpu.memory_space<vmem>> -> memref<128xi32, #tpu.memory_space<vmem>>
    %dma_start3A_79 = arith.constant 0 : i32
    %dma_start3A_80 = arith.constant 0 : i32
    %dma_start3A_81 = tpu.memref_slice %arg3[%dma_start3A_79, %dma_start3A_80] : memref<100000x128xf32, #tpu.memory_space<hbm>> -> memref<100000x128xf32, #tpu.memory_space<hbm>>
    tpu.enqueue_indirect_dma source(%dma_start3A_81 : memref<100000x128xf32, #tpu.memory_space<hbm>>) target(%arg15 : memref<128x128xf32, #tpu.memory_space<vmem>>) offsets(%dma_start3A_78 : memref<128xi32, #tpu.memory_space<vmem>>) semaphore(%arg22 : memref<!tpu.dma_semaphore, #tpu.memory_space<semaphore_mem>>)
    %dma_wait3A_82 = arith.constant 3 : i32
    %dma_wait3A_83 = arith.constant 0 : i32
    %dma_wait3A_84 = tpu.memref_slice %arg9[%dma_wait3A_82, %dma_wait3A_83] : memref<8x128xi32, #tpu.memory_space<vmem>> -> memref<1x128xi32, #tpu.memory_space<vmem>>
    %dma_wait3A_85 = tpu.memref_squeeze %dma_wait3A_84 : memref<1x128xi32, #tpu.memory_space<vmem>> -> memref<128xi32, #tpu.memory_space<vmem>>
    %dma_wait3A_86 = arith.constant 0 : i32
    %dma_wait3A_87 = arith.constant 0 : i32
    %dma_wait3A_88 = tpu.memref_slice %arg3[%dma_wait3A_86, %dma_wait3A_87] : memref<100000x128xf32, #tpu.memory_space<hbm>> -> memref<100000x128xf32, #tpu.memory_space<hbm>>
    tpu.wait_indirect_dma semaphore(%arg20 : memref<!tpu.dma_semaphore, #tpu.memory_space<semaphore_mem>>) src(%dma_wait3A_88 : memref<100000x128xf32, #tpu.memory_space<hbm>>) dst(%arg13 : memref<128x128xf32, #tpu.memory_space<vmem>>)
    %add3A_89 = arith.constant 384 : i32
    %add3A_90 = arith.addi %mul3A_2, %add3A_89 : i32
    %dma_start3A_91 = arith.constant 0 : i32
    %dma_start3A_92 = tpu.memref_slice %arg5[%add3A_90, %dma_start3A_91] : memref<16384x128xf32, #tpu.memory_space<hbm>> -> memref<128x128xf32, #tpu.memory_space<hbm>>
    %dma_start3A_93 = arith.constant 0 : i32
    %dma_start3A_94 = tpu.memref_slice %arg5[%add3A_90, %dma_start3A_93] : memref<16384x128xf32, #tpu.memory_space<hbm>> -> memref<128x128xf32, #tpu.memory_space<hbm>>
    tpu.enqueue_dma source(%arg13 : memref<128x128xf32, #tpu.memory_space<vmem>>) target(%dma_start3A_94 : memref<128x128xf32, #tpu.memory_space<hbm>>) target_semaphore(%arg27 : memref<!tpu.dma_semaphore, #tpu.memory_space<semaphore_mem>>)
    %dma_start3A_95 = arith.constant 6 : i32
    %dma_start3A_96 = arith.constant 0 : i32
    %dma_start3A_97 = tpu.memref_slice %arg9[%dma_start3A_95, %dma_start3A_96] : memref<8x128xi32, #tpu.memory_space<vmem>> -> memref<1x128xi32, #tpu.memory_space<vmem>>
    %dma_start3A_98 = tpu.memref_squeeze %dma_start3A_97 : memref<1x128xi32, #tpu.memory_space<vmem>> -> memref<128xi32, #tpu.memory_space<vmem>>
    %dma_start3A_99 = arith.constant 0 : i32
    %dma_start3A_100 = arith.constant 0 : i32
    %dma_start3A_101 = tpu.memref_slice %arg3[%dma_start3A_99, %dma_start3A_100] : memref<100000x128xf32, #tpu.memory_space<hbm>> -> memref<100000x128xf32, #tpu.memory_space<hbm>>
    tpu.enqueue_indirect_dma source(%dma_start3A_101 : memref<100000x128xf32, #tpu.memory_space<hbm>>) target(%arg16 : memref<128x128xf32, #tpu.memory_space<vmem>>) offsets(%dma_start3A_98 : memref<128xi32, #tpu.memory_space<vmem>>) semaphore(%arg23 : memref<!tpu.dma_semaphore, #tpu.memory_space<semaphore_mem>>)
    %dma_wait3A_102 = arith.constant 4 : i32
    %dma_wait3A_103 = arith.constant 0 : i32
    %dma_wait3A_104 = tpu.memref_slice %arg9[%dma_wait3A_102, %dma_wait3A_103] : memref<8x128xi32, #tpu.memory_space<vmem>> -> memref<1x128xi32, #tpu.memory_space<vmem>>
    %dma_wait3A_105 = tpu.memref_squeeze %dma_wait3A_104 : memref<1x128xi32, #tpu.memory_space<vmem>> -> memref<128xi32, #tpu.memory_space<vmem>>
    %dma_wait3A_106 = arith.constant 0 : i32
    %dma_wait3A_107 = arith.constant 0 : i32
    %dma_wait3A_108 = tpu.memref_slice %arg3[%dma_wait3A_106, %dma_wait3A_107] : memref<100000x128xf32, #tpu.memory_space<hbm>> -> memref<100000x128xf32, #tpu.memory_space<hbm>>
    tpu.wait_indirect_dma semaphore(%arg21 : memref<!tpu.dma_semaphore, #tpu.memory_space<semaphore_mem>>) src(%dma_wait3A_108 : memref<100000x128xf32, #tpu.memory_space<hbm>>) dst(%arg14 : memref<128x128xf32, #tpu.memory_space<vmem>>)
    %add3A_109 = arith.constant 0 : i32
    %add3A_110 = arith.addi %mul3A_2, %add3A_109 : i32
    %dma_start3A_111 = arith.constant 0 : i32
    %dma_start3A_112 = tpu.memref_slice %arg6[%add3A_110, %dma_start3A_111] : memref<16384x128xf32, #tpu.memory_space<hbm>> -> memref<128x128xf32, #tpu.memory_space<hbm>>
    %dma_start3A_113 = arith.constant 0 : i32
    %dma_start3A_114 = tpu.memref_slice %arg6[%add3A_110, %dma_start3A_113] : memref<16384x128xf32, #tpu.memory_space<hbm>> -> memref<128x128xf32, #tpu.memory_space<hbm>>
    tpu.enqueue_dma source(%arg14 : memref<128x128xf32, #tpu.memory_space<vmem>>) target(%dma_start3A_114 : memref<128x128xf32, #tpu.memory_space<hbm>>) target_semaphore(%arg28 : memref<!tpu.dma_semaphore, #tpu.memory_space<semaphore_mem>>)
    %dma_wait3A_115 = arith.constant 0 : i32
    %dma_wait3A_116 = tpu.memref_slice %arg5[%add3A_30, %dma_wait3A_115] : memref<16384x128xf32, #tpu.memory_space<hbm>> -> memref<128x128xf32, #tpu.memory_space<hbm>>
    %dma_wait3A_117 = arith.constant 0 : i32
    %dma_wait3A_118 = tpu.memref_slice %arg5[%add3A_30, %dma_wait3A_117] : memref<16384x128xf32, #tpu.memory_space<hbm>> -> memref<128x128xf32, #tpu.memory_space<hbm>>
    tpu.wait_dma2 semaphore(%arg24 : memref<!tpu.dma_semaphore, #tpu.memory_space<semaphore_mem>>) src(%arg10 : memref<128x128xf32, #tpu.memory_space<vmem>>) dst(%dma_wait3A_118 : memref<128x128xf32, #tpu.memory_space<hbm>>)
    %dma_start3A_119 = arith.constant 7 : i32
    %dma_start3A_120 = arith.constant 0 : i32
    %dma_start3A_121 = tpu.memref_slice %arg9[%dma_start3A_119, %dma_start3A_120] : memref<8x128xi32, #tpu.memory_space<vmem>> -> memref<1x128xi32, #tpu.memory_space<vmem>>
    %dma_start3A_122 = tpu.memref_squeeze %dma_start3A_121 : memref<1x128xi32, #tpu.memory_space<vmem>> -> memref<128xi32, #tpu.memory_space<vmem>>
    %dma_start3A_123 = arith.constant 0 : i32
    %dma_start3A_124 = arith.constant 0 : i32
    %dma_start3A_125 = tpu.memref_slice %arg3[%dma_start3A_123, %dma_start3A_124] : memref<100000x128xf32, #tpu.memory_space<hbm>> -> memref<100000x128xf32, #tpu.memory_space<hbm>>
    tpu.enqueue_indirect_dma source(%dma_start3A_125 : memref<100000x128xf32, #tpu.memory_space<hbm>>) target(%arg10 : memref<128x128xf32, #tpu.memory_space<vmem>>) offsets(%dma_start3A_122 : memref<128xi32, #tpu.memory_space<vmem>>) semaphore(%arg17 : memref<!tpu.dma_semaphore, #tpu.memory_space<semaphore_mem>>)
    %dma_wait3A_126 = arith.constant 5 : i32
    %dma_wait3A_127 = arith.constant 0 : i32
    %dma_wait3A_128 = tpu.memref_slice %arg9[%dma_wait3A_126, %dma_wait3A_127] : memref<8x128xi32, #tpu.memory_space<vmem>> -> memref<1x128xi32, #tpu.memory_space<vmem>>
    %dma_wait3A_129 = tpu.memref_squeeze %dma_wait3A_128 : memref<1x128xi32, #tpu.memory_space<vmem>> -> memref<128xi32, #tpu.memory_space<vmem>>
    %dma_wait3A_130 = arith.constant 0 : i32
    %dma_wait3A_131 = arith.constant 0 : i32
    %dma_wait3A_132 = tpu.memref_slice %arg3[%dma_wait3A_130, %dma_wait3A_131] : memref<100000x128xf32, #tpu.memory_space<hbm>> -> memref<100000x128xf32, #tpu.memory_space<hbm>>
    tpu.wait_indirect_dma semaphore(%arg22 : memref<!tpu.dma_semaphore, #tpu.memory_space<semaphore_mem>>) src(%dma_wait3A_132 : memref<100000x128xf32, #tpu.memory_space<hbm>>) dst(%arg15 : memref<128x128xf32, #tpu.memory_space<vmem>>)
    %add3A_133 = arith.constant 128 : i32
    %add3A_134 = arith.addi %mul3A_2, %add3A_133 : i32
    %dma_start3A_135 = arith.constant 0 : i32
    %dma_start3A_136 = tpu.memref_slice %arg6[%add3A_134, %dma_start3A_135] : memref<16384x128xf32, #tpu.memory_space<hbm>> -> memref<128x128xf32, #tpu.memory_space<hbm>>
    %dma_start3A_137 = arith.constant 0 : i32
    %dma_start3A_138 = tpu.memref_slice %arg6[%add3A_134, %dma_start3A_137] : memref<16384x128xf32, #tpu.memory_space<hbm>> -> memref<128x128xf32, #tpu.memory_space<hbm>>
    tpu.enqueue_dma source(%arg15 : memref<128x128xf32, #tpu.memory_space<vmem>>) target(%dma_start3A_138 : memref<128x128xf32, #tpu.memory_space<hbm>>) target_semaphore(%arg29 : memref<!tpu.dma_semaphore, #tpu.memory_space<semaphore_mem>>)
    %dma_wait3A_139 = arith.constant 0 : i32
    %dma_wait3A_140 = tpu.memref_slice %arg5[%add3A_50, %dma_wait3A_139] : memref<16384x128xf32, #tpu.memory_space<hbm>> -> memref<128x128xf32, #tpu.memory_space<hbm>>
    %dma_wait3A_141 = arith.constant 0 : i32
    %dma_wait3A_142 = tpu.memref_slice %arg5[%add3A_50, %dma_wait3A_141] : memref<16384x128xf32, #tpu.memory_space<hbm>> -> memref<128x128xf32, #tpu.memory_space<hbm>>
    tpu.wait_dma2 semaphore(%arg25 : memref<!tpu.dma_semaphore, #tpu.memory_space<semaphore_mem>>) src(%arg11 : memref<128x128xf32, #tpu.memory_space<vmem>>) dst(%dma_wait3A_142 : memref<128x128xf32, #tpu.memory_space<hbm>>)
    %dma_start3A_143 = arith.constant 0 : i32
    %dma_start3A_144 = arith.constant 0 : i32
    %dma_start3A_145 = tpu.memref_slice %arg9[%dma_start3A_143, %dma_start3A_144] : memref<8x128xi32, #tpu.memory_space<vmem>> -> memref<1x128xi32, #tpu.memory_space<vmem>>
    %dma_start3A_146 = tpu.memref_squeeze %dma_start3A_145 : memref<1x128xi32, #tpu.memory_space<vmem>> -> memref<128xi32, #tpu.memory_space<vmem>>
    %dma_start3A_147 = arith.constant 0 : i32
    %dma_start3A_148 = arith.constant 0 : i32
    %dma_start3A_149 = tpu.memref_slice %arg4[%dma_start3A_147, %dma_start3A_148] : memref<100000x128xf32, #tpu.memory_space<hbm>> -> memref<100000x128xf32, #tpu.memory_space<hbm>>
    tpu.enqueue_indirect_dma source(%dma_start3A_149 : memref<100000x128xf32, #tpu.memory_space<hbm>>) target(%arg11 : memref<128x128xf32, #tpu.memory_space<vmem>>) offsets(%dma_start3A_146 : memref<128xi32, #tpu.memory_space<vmem>>) semaphore(%arg18 : memref<!tpu.dma_semaphore, #tpu.memory_space<semaphore_mem>>)
    %dma_wait3A_150 = arith.constant 6 : i32
    %dma_wait3A_151 = arith.constant 0 : i32
    %dma_wait3A_152 = tpu.memref_slice %arg9[%dma_wait3A_150, %dma_wait3A_151] : memref<8x128xi32, #tpu.memory_space<vmem>> -> memref<1x128xi32, #tpu.memory_space<vmem>>
    %dma_wait3A_153 = tpu.memref_squeeze %dma_wait3A_152 : memref<1x128xi32, #tpu.memory_space<vmem>> -> memref<128xi32, #tpu.memory_space<vmem>>
    %dma_wait3A_154 = arith.constant 0 : i32
    %dma_wait3A_155 = arith.constant 0 : i32
    %dma_wait3A_156 = tpu.memref_slice %arg3[%dma_wait3A_154, %dma_wait3A_155] : memref<100000x128xf32, #tpu.memory_space<hbm>> -> memref<100000x128xf32, #tpu.memory_space<hbm>>
    tpu.wait_indirect_dma semaphore(%arg23 : memref<!tpu.dma_semaphore, #tpu.memory_space<semaphore_mem>>) src(%dma_wait3A_156 : memref<100000x128xf32, #tpu.memory_space<hbm>>) dst(%arg16 : memref<128x128xf32, #tpu.memory_space<vmem>>)
    %add3A_157 = arith.constant 256 : i32
    %add3A_158 = arith.addi %mul3A_2, %add3A_157 : i32
    %dma_start3A_159 = arith.constant 0 : i32
    %dma_start3A_160 = tpu.memref_slice %arg6[%add3A_158, %dma_start3A_159] : memref<16384x128xf32, #tpu.memory_space<hbm>> -> memref<128x128xf32, #tpu.memory_space<hbm>>
    %dma_start3A_161 = arith.constant 0 : i32
    %dma_start3A_162 = tpu.memref_slice %arg6[%add3A_158, %dma_start3A_161] : memref<16384x128xf32, #tpu.memory_space<hbm>> -> memref<128x128xf32, #tpu.memory_space<hbm>>
    tpu.enqueue_dma source(%arg16 : memref<128x128xf32, #tpu.memory_space<vmem>>) target(%dma_start3A_162 : memref<128x128xf32, #tpu.memory_space<hbm>>) target_semaphore(%arg30 : memref<!tpu.dma_semaphore, #tpu.memory_space<semaphore_mem>>)
    %dma_wait3A_163 = arith.constant 0 : i32
    %dma_wait3A_164 = tpu.memref_slice %arg5[%add3A_70, %dma_wait3A_163] : memref<16384x128xf32, #tpu.memory_space<hbm>> -> memref<128x128xf32, #tpu.memory_space<hbm>>
    %dma_wait3A_165 = arith.constant 0 : i32
    %dma_wait3A_166 = tpu.memref_slice %arg5[%add3A_70, %dma_wait3A_165] : memref<16384x128xf32, #tpu.memory_space<hbm>> -> memref<128x128xf32, #tpu.memory_space<hbm>>
    tpu.wait_dma2 semaphore(%arg26 : memref<!tpu.dma_semaphore, #tpu.memory_space<semaphore_mem>>) src(%arg12 : memref<128x128xf32, #tpu.memory_space<vmem>>) dst(%dma_wait3A_166 : memref<128x128xf32, #tpu.memory_space<hbm>>)
    %dma_start3A_167 = arith.constant 1 : i32
    %dma_start3A_168 = arith.constant 0 : i32
    %dma_start3A_169 = tpu.memref_slice %arg9[%dma_start3A_167, %dma_start3A_168] : memref<8x128xi32, #tpu.memory_space<vmem>> -> memref<1x128xi32, #tpu.memory_space<vmem>>
    %dma_start3A_170 = tpu.memref_squeeze %dma_start3A_169 : memref<1x128xi32, #tpu.memory_space<vmem>> -> memref<128xi32, #tpu.memory_space<vmem>>
    %dma_start3A_171 = arith.constant 0 : i32
    %dma_start3A_172 = arith.constant 0 : i32
    %dma_start3A_173 = tpu.memref_slice %arg4[%dma_start3A_171, %dma_start3A_172] : memref<100000x128xf32, #tpu.memory_space<hbm>> -> memref<100000x128xf32, #tpu.memory_space<hbm>>
    tpu.enqueue_indirect_dma source(%dma_start3A_173 : memref<100000x128xf32, #tpu.memory_space<hbm>>) target(%arg12 : memref<128x128xf32, #tpu.memory_space<vmem>>) offsets(%dma_start3A_170 : memref<128xi32, #tpu.memory_space<vmem>>) semaphore(%arg19 : memref<!tpu.dma_semaphore, #tpu.memory_space<semaphore_mem>>)
    %dma_wait3A_174 = arith.constant 7 : i32
    %dma_wait3A_175 = arith.constant 0 : i32
    %dma_wait3A_176 = tpu.memref_slice %arg9[%dma_wait3A_174, %dma_wait3A_175] : memref<8x128xi32, #tpu.memory_space<vmem>> -> memref<1x128xi32, #tpu.memory_space<vmem>>
    %dma_wait3A_177 = tpu.memref_squeeze %dma_wait3A_176 : memref<1x128xi32, #tpu.memory_space<vmem>> -> memref<128xi32, #tpu.memory_space<vmem>>
    %dma_wait3A_178 = arith.constant 0 : i32
    %dma_wait3A_179 = arith.constant 0 : i32
    %dma_wait3A_180 = tpu.memref_slice %arg3[%dma_wait3A_178, %dma_wait3A_179] : memref<100000x128xf32, #tpu.memory_space<hbm>> -> memref<100000x128xf32, #tpu.memory_space<hbm>>
    tpu.wait_indirect_dma semaphore(%arg17 : memref<!tpu.dma_semaphore, #tpu.memory_space<semaphore_mem>>) src(%dma_wait3A_180 : memref<100000x128xf32, #tpu.memory_space<hbm>>) dst(%arg10 : memref<128x128xf32, #tpu.memory_space<vmem>>)
    %add3A_181 = arith.constant 384 : i32
    %add3A_182 = arith.addi %mul3A_2, %add3A_181 : i32
    %dma_start3A_183 = arith.constant 0 : i32
    %dma_start3A_184 = tpu.memref_slice %arg6[%add3A_182, %dma_start3A_183] : memref<16384x128xf32, #tpu.memory_space<hbm>> -> memref<128x128xf32, #tpu.memory_space<hbm>>
    %dma_start3A_185 = arith.constant 0 : i32
    %dma_start3A_186 = tpu.memref_slice %arg6[%add3A_182, %dma_start3A_185] : memref<16384x128xf32, #tpu.memory_space<hbm>> -> memref<128x128xf32, #tpu.memory_space<hbm>>
    tpu.enqueue_dma source(%arg10 : memref<128x128xf32, #tpu.memory_space<vmem>>) target(%dma_start3A_186 : memref<128x128xf32, #tpu.memory_space<hbm>>) target_semaphore(%arg24 : memref<!tpu.dma_semaphore, #tpu.memory_space<semaphore_mem>>)
    %dma_wait3A_187 = arith.constant 0 : i32
    %dma_wait3A_188 = tpu.memref_slice %arg5[%add3A_90, %dma_wait3A_187] : memref<16384x128xf32, #tpu.memory_space<hbm>> -> memref<128x128xf32, #tpu.memory_space<hbm>>
    %dma_wait3A_189 = arith.constant 0 : i32
    %dma_wait3A_190 = tpu.memref_slice %arg5[%add3A_90, %dma_wait3A_189] : memref<16384x128xf32, #tpu.memory_space<hbm>> -> memref<128x128xf32, #tpu.memory_space<hbm>>
    tpu.wait_dma2 semaphore(%arg27 : memref<!tpu.dma_semaphore, #tpu.memory_space<semaphore_mem>>) src(%arg13 : memref<128x128xf32, #tpu.memory_space<vmem>>) dst(%dma_wait3A_190 : memref<128x128xf32, #tpu.memory_space<hbm>>)
    %dma_start3A_191 = arith.constant 2 : i32
    %dma_start3A_192 = arith.constant 0 : i32
    %dma_start3A_193 = tpu.memref_slice %arg9[%dma_start3A_191, %dma_start3A_192] : memref<8x128xi32, #tpu.memory_space<vmem>> -> memref<1x128xi32, #tpu.memory_space<vmem>>
    %dma_start3A_194 = tpu.memref_squeeze %dma_start3A_193 : memref<1x128xi32, #tpu.memory_space<vmem>> -> memref<128xi32, #tpu.memory_space<vmem>>
    %dma_start3A_195 = arith.constant 0 : i32
    %dma_start3A_196 = arith.constant 0 : i32
    %dma_start3A_197 = tpu.memref_slice %arg4[%dma_start3A_195, %dma_start3A_196] : memref<100000x128xf32, #tpu.memory_space<hbm>> -> memref<100000x128xf32, #tpu.memory_space<hbm>>
    tpu.enqueue_indirect_dma source(%dma_start3A_197 : memref<100000x128xf32, #tpu.memory_space<hbm>>) target(%arg13 : memref<128x128xf32, #tpu.memory_space<vmem>>) offsets(%dma_start3A_194 : memref<128xi32, #tpu.memory_space<vmem>>) semaphore(%arg20 : memref<!tpu.dma_semaphore, #tpu.memory_space<semaphore_mem>>)
    %dma_wait3A_198 = arith.constant 0 : i32
    %dma_wait3A_199 = arith.constant 0 : i32
    %dma_wait3A_200 = tpu.memref_slice %arg9[%dma_wait3A_198, %dma_wait3A_199] : memref<8x128xi32, #tpu.memory_space<vmem>> -> memref<1x128xi32, #tpu.memory_space<vmem>>
    %dma_wait3A_201 = tpu.memref_squeeze %dma_wait3A_200 : memref<1x128xi32, #tpu.memory_space<vmem>> -> memref<128xi32, #tpu.memory_space<vmem>>
    %dma_wait3A_202 = arith.constant 0 : i32
    %dma_wait3A_203 = arith.constant 0 : i32
    %dma_wait3A_204 = tpu.memref_slice %arg4[%dma_wait3A_202, %dma_wait3A_203] : memref<100000x128xf32, #tpu.memory_space<hbm>> -> memref<100000x128xf32, #tpu.memory_space<hbm>>
    tpu.wait_indirect_dma semaphore(%arg18 : memref<!tpu.dma_semaphore, #tpu.memory_space<semaphore_mem>>) src(%dma_wait3A_204 : memref<100000x128xf32, #tpu.memory_space<hbm>>) dst(%arg11 : memref<128x128xf32, #tpu.memory_space<vmem>>)
    %add3A_205 = arith.constant 0 : i32
    %add3A_206 = arith.addi %mul3A_2, %add3A_205 : i32
    %dma_start3A_207 = arith.constant 0 : i32
    %dma_start3A_208 = tpu.memref_slice %arg7[%add3A_206, %dma_start3A_207] : memref<16384x128xf32, #tpu.memory_space<hbm>> -> memref<128x128xf32, #tpu.memory_space<hbm>>
    %dma_start3A_209 = arith.constant 0 : i32
    %dma_start3A_210 = tpu.memref_slice %arg7[%add3A_206, %dma_start3A_209] : memref<16384x128xf32, #tpu.memory_space<hbm>> -> memref<128x128xf32, #tpu.memory_space<hbm>>
    tpu.enqueue_dma source(%arg11 : memref<128x128xf32, #tpu.memory_space<vmem>>) target(%dma_start3A_210 : memref<128x128xf32, #tpu.memory_space<hbm>>) target_semaphore(%arg25 : memref<!tpu.dma_semaphore, #tpu.memory_space<semaphore_mem>>)
    %dma_wait3A_211 = arith.constant 0 : i32
    %dma_wait3A_212 = tpu.memref_slice %arg6[%add3A_110, %dma_wait3A_211] : memref<16384x128xf32, #tpu.memory_space<hbm>> -> memref<128x128xf32, #tpu.memory_space<hbm>>
    %dma_wait3A_213 = arith.constant 0 : i32
    %dma_wait3A_214 = tpu.memref_slice %arg6[%add3A_110, %dma_wait3A_213] : memref<16384x128xf32, #tpu.memory_space<hbm>> -> memref<128x128xf32, #tpu.memory_space<hbm>>
    tpu.wait_dma2 semaphore(%arg28 : memref<!tpu.dma_semaphore, #tpu.memory_space<semaphore_mem>>) src(%arg14 : memref<128x128xf32, #tpu.memory_space<vmem>>) dst(%dma_wait3A_214 : memref<128x128xf32, #tpu.memory_space<hbm>>)
    %dma_start3A_215 = arith.constant 3 : i32
    %dma_start3A_216 = arith.constant 0 : i32
    %dma_start3A_217 = tpu.memref_slice %arg9[%dma_start3A_215, %dma_start3A_216] : memref<8x128xi32, #tpu.memory_space<vmem>> -> memref<1x128xi32, #tpu.memory_space<vmem>>
    %dma_start3A_218 = tpu.memref_squeeze %dma_start3A_217 : memref<1x128xi32, #tpu.memory_space<vmem>> -> memref<128xi32, #tpu.memory_space<vmem>>
    %dma_start3A_219 = arith.constant 0 : i32
    %dma_start3A_220 = arith.constant 0 : i32
    %dma_start3A_221 = tpu.memref_slice %arg4[%dma_start3A_219, %dma_start3A_220] : memref<100000x128xf32, #tpu.memory_space<hbm>> -> memref<100000x128xf32, #tpu.memory_space<hbm>>
    tpu.enqueue_indirect_dma source(%dma_start3A_221 : memref<100000x128xf32, #tpu.memory_space<hbm>>) target(%arg14 : memref<128x128xf32, #tpu.memory_space<vmem>>) offsets(%dma_start3A_218 : memref<128xi32, #tpu.memory_space<vmem>>) semaphore(%arg21 : memref<!tpu.dma_semaphore, #tpu.memory_space<semaphore_mem>>)
    %dma_wait3A_222 = arith.constant 1 : i32
    %dma_wait3A_223 = arith.constant 0 : i32
    %dma_wait3A_224 = tpu.memref_slice %arg9[%dma_wait3A_222, %dma_wait3A_223] : memref<8x128xi32, #tpu.memory_space<vmem>> -> memref<1x128xi32, #tpu.memory_space<vmem>>
    %dma_wait3A_225 = tpu.memref_squeeze %dma_wait3A_224 : memref<1x128xi32, #tpu.memory_space<vmem>> -> memref<128xi32, #tpu.memory_space<vmem>>
    %dma_wait3A_226 = arith.constant 0 : i32
    %dma_wait3A_227 = arith.constant 0 : i32
    %dma_wait3A_228 = tpu.memref_slice %arg4[%dma_wait3A_226, %dma_wait3A_227] : memref<100000x128xf32, #tpu.memory_space<hbm>> -> memref<100000x128xf32, #tpu.memory_space<hbm>>
    tpu.wait_indirect_dma semaphore(%arg19 : memref<!tpu.dma_semaphore, #tpu.memory_space<semaphore_mem>>) src(%dma_wait3A_228 : memref<100000x128xf32, #tpu.memory_space<hbm>>) dst(%arg12 : memref<128x128xf32, #tpu.memory_space<vmem>>)
    %add3A_229 = arith.constant 128 : i32
    %add3A_230 = arith.addi %mul3A_2, %add3A_229 : i32
    %dma_start3A_231 = arith.constant 0 : i32
    %dma_start3A_232 = tpu.memref_slice %arg7[%add3A_230, %dma_start3A_231] : memref<16384x128xf32, #tpu.memory_space<hbm>> -> memref<128x128xf32, #tpu.memory_space<hbm>>
    %dma_start3A_233 = arith.constant 0 : i32
    %dma_start3A_234 = tpu.memref_slice %arg7[%add3A_230, %dma_start3A_233] : memref<16384x128xf32, #tpu.memory_space<hbm>> -> memref<128x128xf32, #tpu.memory_space<hbm>>
    tpu.enqueue_dma source(%arg12 : memref<128x128xf32, #tpu.memory_space<vmem>>) target(%dma_start3A_234 : memref<128x128xf32, #tpu.memory_space<hbm>>) target_semaphore(%arg26 : memref<!tpu.dma_semaphore, #tpu.memory_space<semaphore_mem>>)
    %dma_wait3A_235 = arith.constant 0 : i32
    %dma_wait3A_236 = tpu.memref_slice %arg6[%add3A_134, %dma_wait3A_235] : memref<16384x128xf32, #tpu.memory_space<hbm>> -> memref<128x128xf32, #tpu.memory_space<hbm>>
    %dma_wait3A_237 = arith.constant 0 : i32
    %dma_wait3A_238 = tpu.memref_slice %arg6[%add3A_134, %dma_wait3A_237] : memref<16384x128xf32, #tpu.memory_space<hbm>> -> memref<128x128xf32, #tpu.memory_space<hbm>>
    tpu.wait_dma2 semaphore(%arg29 : memref<!tpu.dma_semaphore, #tpu.memory_space<semaphore_mem>>) src(%arg15 : memref<128x128xf32, #tpu.memory_space<vmem>>) dst(%dma_wait3A_238 : memref<128x128xf32, #tpu.memory_space<hbm>>)
    %dma_start3A_239 = arith.constant 4 : i32
    %dma_start3A_240 = arith.constant 0 : i32
    %dma_start3A_241 = tpu.memref_slice %arg9[%dma_start3A_239, %dma_start3A_240] : memref<8x128xi32, #tpu.memory_space<vmem>> -> memref<1x128xi32, #tpu.memory_space<vmem>>
    %dma_start3A_242 = tpu.memref_squeeze %dma_start3A_241 : memref<1x128xi32, #tpu.memory_space<vmem>> -> memref<128xi32, #tpu.memory_space<vmem>>
    %dma_start3A_243 = arith.constant 0 : i32
    %dma_start3A_244 = arith.constant 0 : i32
    %dma_start3A_245 = tpu.memref_slice %arg4[%dma_start3A_243, %dma_start3A_244] : memref<100000x128xf32, #tpu.memory_space<hbm>> -> memref<100000x128xf32, #tpu.memory_space<hbm>>
    tpu.enqueue_indirect_dma source(%dma_start3A_245 : memref<100000x128xf32, #tpu.memory_space<hbm>>) target(%arg15 : memref<128x128xf32, #tpu.memory_space<vmem>>) offsets(%dma_start3A_242 : memref<128xi32, #tpu.memory_space<vmem>>) semaphore(%arg22 : memref<!tpu.dma_semaphore, #tpu.memory_space<semaphore_mem>>)
    %dma_wait3A_246 = arith.constant 2 : i32
    %dma_wait3A_247 = arith.constant 0 : i32
    %dma_wait3A_248 = tpu.memref_slice %arg9[%dma_wait3A_246, %dma_wait3A_247] : memref<8x128xi32, #tpu.memory_space<vmem>> -> memref<1x128xi32, #tpu.memory_space<vmem>>
    %dma_wait3A_249 = tpu.memref_squeeze %dma_wait3A_248 : memref<1x128xi32, #tpu.memory_space<vmem>> -> memref<128xi32, #tpu.memory_space<vmem>>
    %dma_wait3A_250 = arith.constant 0 : i32
    %dma_wait3A_251 = arith.constant 0 : i32
    %dma_wait3A_252 = tpu.memref_slice %arg4[%dma_wait3A_250, %dma_wait3A_251] : memref<100000x128xf32, #tpu.memory_space<hbm>> -> memref<100000x128xf32, #tpu.memory_space<hbm>>
    tpu.wait_indirect_dma semaphore(%arg20 : memref<!tpu.dma_semaphore, #tpu.memory_space<semaphore_mem>>) src(%dma_wait3A_252 : memref<100000x128xf32, #tpu.memory_space<hbm>>) dst(%arg13 : memref<128x128xf32, #tpu.memory_space<vmem>>)
    %add3A_253 = arith.constant 256 : i32
    %add3A_254 = arith.addi %mul3A_2, %add3A_253 : i32
    %dma_start3A_255 = arith.constant 0 : i32
    %dma_start3A_256 = tpu.memref_slice %arg7[%add3A_254, %dma_start3A_255] : memref<16384x128xf32, #tpu.memory_space<hbm>> -> memref<128x128xf32, #tpu.memory_space<hbm>>
    %dma_start3A_257 = arith.constant 0 : i32
    %dma_start3A_258 = tpu.memref_slice %arg7[%add3A_254, %dma_start3A_257] : memref<16384x128xf32, #tpu.memory_space<hbm>> -> memref<128x128xf32, #tpu.memory_space<hbm>>
    tpu.enqueue_dma source(%arg13 : memref<128x128xf32, #tpu.memory_space<vmem>>) target(%dma_start3A_258 : memref<128x128xf32, #tpu.memory_space<hbm>>) target_semaphore(%arg27 : memref<!tpu.dma_semaphore, #tpu.memory_space<semaphore_mem>>)
    %dma_wait3A_259 = arith.constant 0 : i32
    %dma_wait3A_260 = tpu.memref_slice %arg6[%add3A_158, %dma_wait3A_259] : memref<16384x128xf32, #tpu.memory_space<hbm>> -> memref<128x128xf32, #tpu.memory_space<hbm>>
    %dma_wait3A_261 = arith.constant 0 : i32
    %dma_wait3A_262 = tpu.memref_slice %arg6[%add3A_158, %dma_wait3A_261] : memref<16384x128xf32, #tpu.memory_space<hbm>> -> memref<128x128xf32, #tpu.memory_space<hbm>>
    tpu.wait_dma2 semaphore(%arg30 : memref<!tpu.dma_semaphore, #tpu.memory_space<semaphore_mem>>) src(%arg16 : memref<128x128xf32, #tpu.memory_space<vmem>>) dst(%dma_wait3A_262 : memref<128x128xf32, #tpu.memory_space<hbm>>)
    %dma_start3A_263 = arith.constant 5 : i32
    %dma_start3A_264 = arith.constant 0 : i32
    %dma_start3A_265 = tpu.memref_slice %arg9[%dma_start3A_263, %dma_start3A_264] : memref<8x128xi32, #tpu.memory_space<vmem>> -> memref<1x128xi32, #tpu.memory_space<vmem>>
    %dma_start3A_266 = tpu.memref_squeeze %dma_start3A_265 : memref<1x128xi32, #tpu.memory_space<vmem>> -> memref<128xi32, #tpu.memory_space<vmem>>
    %dma_start3A_267 = arith.constant 0 : i32
    %dma_start3A_268 = arith.constant 0 : i32
    %dma_start3A_269 = tpu.memref_slice %arg4[%dma_start3A_267, %dma_start3A_268] : memref<100000x128xf32, #tpu.memory_space<hbm>> -> memref<100000x128xf32, #tpu.memory_space<hbm>>
    tpu.enqueue_indirect_dma source(%dma_start3A_269 : memref<100000x128xf32, #tpu.memory_space<hbm>>) target(%arg16 : memref<128x128xf32, #tpu.memory_space<vmem>>) offsets(%dma_start3A_266 : memref<128xi32, #tpu.memory_space<vmem>>) semaphore(%arg23 : memref<!tpu.dma_semaphore, #tpu.memory_space<semaphore_mem>>)
    %dma_wait3A_270 = arith.constant 3 : i32
    %dma_wait3A_271 = arith.constant 0 : i32
    %dma_wait3A_272 = tpu.memref_slice %arg9[%dma_wait3A_270, %dma_wait3A_271] : memref<8x128xi32, #tpu.memory_space<vmem>> -> memref<1x128xi32, #tpu.memory_space<vmem>>
    %dma_wait3A_273 = tpu.memref_squeeze %dma_wait3A_272 : memref<1x128xi32, #tpu.memory_space<vmem>> -> memref<128xi32, #tpu.memory_space<vmem>>
    %dma_wait3A_274 = arith.constant 0 : i32
    %dma_wait3A_275 = arith.constant 0 : i32
    %dma_wait3A_276 = tpu.memref_slice %arg4[%dma_wait3A_274, %dma_wait3A_275] : memref<100000x128xf32, #tpu.memory_space<hbm>> -> memref<100000x128xf32, #tpu.memory_space<hbm>>
    tpu.wait_indirect_dma semaphore(%arg21 : memref<!tpu.dma_semaphore, #tpu.memory_space<semaphore_mem>>) src(%dma_wait3A_276 : memref<100000x128xf32, #tpu.memory_space<hbm>>) dst(%arg14 : memref<128x128xf32, #tpu.memory_space<vmem>>)
    %add3A_277 = arith.constant 384 : i32
    %add3A_278 = arith.addi %mul3A_2, %add3A_277 : i32
    %dma_start3A_279 = arith.constant 0 : i32
    %dma_start3A_280 = tpu.memref_slice %arg7[%add3A_278, %dma_start3A_279] : memref<16384x128xf32, #tpu.memory_space<hbm>> -> memref<128x128xf32, #tpu.memory_space<hbm>>
    %dma_start3A_281 = arith.constant 0 : i32
    %dma_start3A_282 = tpu.memref_slice %arg7[%add3A_278, %dma_start3A_281] : memref<16384x128xf32, #tpu.memory_space<hbm>> -> memref<128x128xf32, #tpu.memory_space<hbm>>
    tpu.enqueue_dma source(%arg14 : memref<128x128xf32, #tpu.memory_space<vmem>>) target(%dma_start3A_282 : memref<128x128xf32, #tpu.memory_space<hbm>>) target_semaphore(%arg28 : memref<!tpu.dma_semaphore, #tpu.memory_space<semaphore_mem>>)
    %dma_wait3A_283 = arith.constant 0 : i32
    %dma_wait3A_284 = tpu.memref_slice %arg6[%add3A_182, %dma_wait3A_283] : memref<16384x128xf32, #tpu.memory_space<hbm>> -> memref<128x128xf32, #tpu.memory_space<hbm>>
    %dma_wait3A_285 = arith.constant 0 : i32
    %dma_wait3A_286 = tpu.memref_slice %arg6[%add3A_182, %dma_wait3A_285] : memref<16384x128xf32, #tpu.memory_space<hbm>> -> memref<128x128xf32, #tpu.memory_space<hbm>>
    tpu.wait_dma2 semaphore(%arg24 : memref<!tpu.dma_semaphore, #tpu.memory_space<semaphore_mem>>) src(%arg10 : memref<128x128xf32, #tpu.memory_space<vmem>>) dst(%dma_wait3A_286 : memref<128x128xf32, #tpu.memory_space<hbm>>)
    %dma_start3A_287 = arith.constant 6 : i32
    %dma_start3A_288 = arith.constant 0 : i32
    %dma_start3A_289 = tpu.memref_slice %arg9[%dma_start3A_287, %dma_start3A_288] : memref<8x128xi32, #tpu.memory_space<vmem>> -> memref<1x128xi32, #tpu.memory_space<vmem>>
    %dma_start3A_290 = tpu.memref_squeeze %dma_start3A_289 : memref<1x128xi32, #tpu.memory_space<vmem>> -> memref<128xi32, #tpu.memory_space<vmem>>
    %dma_start3A_291 = arith.constant 0 : i32
    %dma_start3A_292 = arith.constant 0 : i32
    %dma_start3A_293 = tpu.memref_slice %arg4[%dma_start3A_291, %dma_start3A_292] : memref<100000x128xf32, #tpu.memory_space<hbm>> -> memref<100000x128xf32, #tpu.memory_space<hbm>>
    tpu.enqueue_indirect_dma source(%dma_start3A_293 : memref<100000x128xf32, #tpu.memory_space<hbm>>) target(%arg10 : memref<128x128xf32, #tpu.memory_space<vmem>>) offsets(%dma_start3A_290 : memref<128xi32, #tpu.memory_space<vmem>>) semaphore(%arg17 : memref<!tpu.dma_semaphore, #tpu.memory_space<semaphore_mem>>)
    %dma_wait3A_294 = arith.constant 4 : i32
    %dma_wait3A_295 = arith.constant 0 : i32
    %dma_wait3A_296 = tpu.memref_slice %arg9[%dma_wait3A_294, %dma_wait3A_295] : memref<8x128xi32, #tpu.memory_space<vmem>> -> memref<1x128xi32, #tpu.memory_space<vmem>>
    %dma_wait3A_297 = tpu.memref_squeeze %dma_wait3A_296 : memref<1x128xi32, #tpu.memory_space<vmem>> -> memref<128xi32, #tpu.memory_space<vmem>>
    %dma_wait3A_298 = arith.constant 0 : i32
    %dma_wait3A_299 = arith.constant 0 : i32
    %dma_wait3A_300 = tpu.memref_slice %arg4[%dma_wait3A_298, %dma_wait3A_299] : memref<100000x128xf32, #tpu.memory_space<hbm>> -> memref<100000x128xf32, #tpu.memory_space<hbm>>
    tpu.wait_indirect_dma semaphore(%arg22 : memref<!tpu.dma_semaphore, #tpu.memory_space<semaphore_mem>>) src(%dma_wait3A_300 : memref<100000x128xf32, #tpu.memory_space<hbm>>) dst(%arg15 : memref<128x128xf32, #tpu.memory_space<vmem>>)
    %add3A_301 = arith.constant 0 : i32
    %add3A_302 = arith.addi %mul3A_2, %add3A_301 : i32
    %dma_start3A_303 = arith.constant 0 : i32
    %dma_start3A_304 = tpu.memref_slice %arg8[%add3A_302, %dma_start3A_303] : memref<16384x128xf32, #tpu.memory_space<hbm>> -> memref<128x128xf32, #tpu.memory_space<hbm>>
    %dma_start3A_305 = arith.constant 0 : i32
    %dma_start3A_306 = tpu.memref_slice %arg8[%add3A_302, %dma_start3A_305] : memref<16384x128xf32, #tpu.memory_space<hbm>> -> memref<128x128xf32, #tpu.memory_space<hbm>>
    tpu.enqueue_dma source(%arg15 : memref<128x128xf32, #tpu.memory_space<vmem>>) target(%dma_start3A_306 : memref<128x128xf32, #tpu.memory_space<hbm>>) target_semaphore(%arg29 : memref<!tpu.dma_semaphore, #tpu.memory_space<semaphore_mem>>)
    %dma_wait3A_307 = arith.constant 0 : i32
    %dma_wait3A_308 = tpu.memref_slice %arg7[%add3A_206, %dma_wait3A_307] : memref<16384x128xf32, #tpu.memory_space<hbm>> -> memref<128x128xf32, #tpu.memory_space<hbm>>
    %dma_wait3A_309 = arith.constant 0 : i32
    %dma_wait3A_310 = tpu.memref_slice %arg7[%add3A_206, %dma_wait3A_309] : memref<16384x128xf32, #tpu.memory_space<hbm>> -> memref<128x128xf32, #tpu.memory_space<hbm>>
    tpu.wait_dma2 semaphore(%arg25 : memref<!tpu.dma_semaphore, #tpu.memory_space<semaphore_mem>>) src(%arg11 : memref<128x128xf32, #tpu.memory_space<vmem>>) dst(%dma_wait3A_310 : memref<128x128xf32, #tpu.memory_space<hbm>>)
    %dma_start3A_311 = arith.constant 7 : i32
    %dma_start3A_312 = arith.constant 0 : i32
    %dma_start3A_313 = tpu.memref_slice %arg9[%dma_start3A_311, %dma_start3A_312] : memref<8x128xi32, #tpu.memory_space<vmem>> -> memref<1x128xi32, #tpu.memory_space<vmem>>
    %dma_start3A_314 = tpu.memref_squeeze %dma_start3A_313 : memref<1x128xi32, #tpu.memory_space<vmem>> -> memref<128xi32, #tpu.memory_space<vmem>>
    %dma_start3A_315 = arith.constant 0 : i32
    %dma_start3A_316 = arith.constant 0 : i32
    %dma_start3A_317 = tpu.memref_slice %arg4[%dma_start3A_315, %dma_start3A_316] : memref<100000x128xf32, #tpu.memory_space<hbm>> -> memref<100000x128xf32, #tpu.memory_space<hbm>>
    tpu.enqueue_indirect_dma source(%dma_start3A_317 : memref<100000x128xf32, #tpu.memory_space<hbm>>) target(%arg11 : memref<128x128xf32, #tpu.memory_space<vmem>>) offsets(%dma_start3A_314 : memref<128xi32, #tpu.memory_space<vmem>>) semaphore(%arg18 : memref<!tpu.dma_semaphore, #tpu.memory_space<semaphore_mem>>)
    %dma_wait3A_318 = arith.constant 5 : i32
    %dma_wait3A_319 = arith.constant 0 : i32
    %dma_wait3A_320 = tpu.memref_slice %arg9[%dma_wait3A_318, %dma_wait3A_319] : memref<8x128xi32, #tpu.memory_space<vmem>> -> memref<1x128xi32, #tpu.memory_space<vmem>>
    %dma_wait3A_321 = tpu.memref_squeeze %dma_wait3A_320 : memref<1x128xi32, #tpu.memory_space<vmem>> -> memref<128xi32, #tpu.memory_space<vmem>>
    %dma_wait3A_322 = arith.constant 0 : i32
    %dma_wait3A_323 = arith.constant 0 : i32
    %dma_wait3A_324 = tpu.memref_slice %arg4[%dma_wait3A_322, %dma_wait3A_323] : memref<100000x128xf32, #tpu.memory_space<hbm>> -> memref<100000x128xf32, #tpu.memory_space<hbm>>
    tpu.wait_indirect_dma semaphore(%arg23 : memref<!tpu.dma_semaphore, #tpu.memory_space<semaphore_mem>>) src(%dma_wait3A_324 : memref<100000x128xf32, #tpu.memory_space<hbm>>) dst(%arg16 : memref<128x128xf32, #tpu.memory_space<vmem>>)
    %add3A_325 = arith.constant 128 : i32
    %add3A_326 = arith.addi %mul3A_2, %add3A_325 : i32
    %dma_start3A_327 = arith.constant 0 : i32
    %dma_start3A_328 = tpu.memref_slice %arg8[%add3A_326, %dma_start3A_327] : memref<16384x128xf32, #tpu.memory_space<hbm>> -> memref<128x128xf32, #tpu.memory_space<hbm>>
    %dma_start3A_329 = arith.constant 0 : i32
    %dma_start3A_330 = tpu.memref_slice %arg8[%add3A_326, %dma_start3A_329] : memref<16384x128xf32, #tpu.memory_space<hbm>> -> memref<128x128xf32, #tpu.memory_space<hbm>>
    tpu.enqueue_dma source(%arg16 : memref<128x128xf32, #tpu.memory_space<vmem>>) target(%dma_start3A_330 : memref<128x128xf32, #tpu.memory_space<hbm>>) target_semaphore(%arg30 : memref<!tpu.dma_semaphore, #tpu.memory_space<semaphore_mem>>)
    %dma_wait3A_331 = arith.constant 6 : i32
    %dma_wait3A_332 = arith.constant 0 : i32
    %dma_wait3A_333 = tpu.memref_slice %arg9[%dma_wait3A_331, %dma_wait3A_332] : memref<8x128xi32, #tpu.memory_space<vmem>> -> memref<1x128xi32, #tpu.memory_space<vmem>>
    %dma_wait3A_334 = tpu.memref_squeeze %dma_wait3A_333 : memref<1x128xi32, #tpu.memory_space<vmem>> -> memref<128xi32, #tpu.memory_space<vmem>>
    %dma_wait3A_335 = arith.constant 0 : i32
    %dma_wait3A_336 = arith.constant 0 : i32
    %dma_wait3A_337 = tpu.memref_slice %arg4[%dma_wait3A_335, %dma_wait3A_336] : memref<100000x128xf32, #tpu.memory_space<hbm>> -> memref<100000x128xf32, #tpu.memory_space<hbm>>
    tpu.wait_indirect_dma semaphore(%arg17 : memref<!tpu.dma_semaphore, #tpu.memory_space<semaphore_mem>>) src(%dma_wait3A_337 : memref<100000x128xf32, #tpu.memory_space<hbm>>) dst(%arg10 : memref<128x128xf32, #tpu.memory_space<vmem>>)
    %add3A_338 = arith.constant 256 : i32
    %add3A_339 = arith.addi %mul3A_2, %add3A_338 : i32
    %dma_start3A_340 = arith.constant 0 : i32
    %dma_start3A_341 = tpu.memref_slice %arg8[%add3A_339, %dma_start3A_340] : memref<16384x128xf32, #tpu.memory_space<hbm>> -> memref<128x128xf32, #tpu.memory_space<hbm>>
    %dma_start3A_342 = arith.constant 0 : i32
    %dma_start3A_343 = tpu.memref_slice %arg8[%add3A_339, %dma_start3A_342] : memref<16384x128xf32, #tpu.memory_space<hbm>> -> memref<128x128xf32, #tpu.memory_space<hbm>>
    tpu.enqueue_dma source(%arg10 : memref<128x128xf32, #tpu.memory_space<vmem>>) target(%dma_start3A_343 : memref<128x128xf32, #tpu.memory_space<hbm>>) target_semaphore(%arg24 : memref<!tpu.dma_semaphore, #tpu.memory_space<semaphore_mem>>)
    %dma_wait3A_344 = arith.constant 7 : i32
    %dma_wait3A_345 = arith.constant 0 : i32
    %dma_wait3A_346 = tpu.memref_slice %arg9[%dma_wait3A_344, %dma_wait3A_345] : memref<8x128xi32, #tpu.memory_space<vmem>> -> memref<1x128xi32, #tpu.memory_space<vmem>>
    %dma_wait3A_347 = tpu.memref_squeeze %dma_wait3A_346 : memref<1x128xi32, #tpu.memory_space<vmem>> -> memref<128xi32, #tpu.memory_space<vmem>>
    %dma_wait3A_348 = arith.constant 0 : i32
    %dma_wait3A_349 = arith.constant 0 : i32
    %dma_wait3A_350 = tpu.memref_slice %arg4[%dma_wait3A_348, %dma_wait3A_349] : memref<100000x128xf32, #tpu.memory_space<hbm>> -> memref<100000x128xf32, #tpu.memory_space<hbm>>
    tpu.wait_indirect_dma semaphore(%arg18 : memref<!tpu.dma_semaphore, #tpu.memory_space<semaphore_mem>>) src(%dma_wait3A_350 : memref<100000x128xf32, #tpu.memory_space<hbm>>) dst(%arg11 : memref<128x128xf32, #tpu.memory_space<vmem>>)
    %add3A_351 = arith.constant 384 : i32
    %add3A_352 = arith.addi %mul3A_2, %add3A_351 : i32
    %dma_start3A_353 = arith.constant 0 : i32
    %dma_start3A_354 = tpu.memref_slice %arg8[%add3A_352, %dma_start3A_353] : memref<16384x128xf32, #tpu.memory_space<hbm>> -> memref<128x128xf32, #tpu.memory_space<hbm>>
    %dma_start3A_355 = arith.constant 0 : i32
    %dma_start3A_356 = tpu.memref_slice %arg8[%add3A_352, %dma_start3A_355] : memref<16384x128xf32, #tpu.memory_space<hbm>> -> memref<128x128xf32, #tpu.memory_space<hbm>>
    tpu.enqueue_dma source(%arg11 : memref<128x128xf32, #tpu.memory_space<vmem>>) target(%dma_start3A_356 : memref<128x128xf32, #tpu.memory_space<hbm>>) target_semaphore(%arg25 : memref<!tpu.dma_semaphore, #tpu.memory_space<semaphore_mem>>)
    %dma_wait3A_357 = arith.constant 0 : i32
    %dma_wait3A_358 = tpu.memref_slice %arg8[%add3A_339, %dma_wait3A_357] : memref<16384x128xf32, #tpu.memory_space<hbm>> -> memref<128x128xf32, #tpu.memory_space<hbm>>
    %dma_wait3A_359 = arith.constant 0 : i32
    %dma_wait3A_360 = tpu.memref_slice %arg8[%add3A_339, %dma_wait3A_359] : memref<16384x128xf32, #tpu.memory_space<hbm>> -> memref<128x128xf32, #tpu.memory_space<hbm>>
    tpu.wait_dma2 semaphore(%arg24 : memref<!tpu.dma_semaphore, #tpu.memory_space<semaphore_mem>>) src(%arg10 : memref<128x128xf32, #tpu.memory_space<vmem>>) dst(%dma_wait3A_360 : memref<128x128xf32, #tpu.memory_space<hbm>>)
    %dma_wait3A_361 = arith.constant 0 : i32
    %dma_wait3A_362 = tpu.memref_slice %arg8[%add3A_352, %dma_wait3A_361] : memref<16384x128xf32, #tpu.memory_space<hbm>> -> memref<128x128xf32, #tpu.memory_space<hbm>>
    %dma_wait3A_363 = arith.constant 0 : i32
    %dma_wait3A_364 = tpu.memref_slice %arg8[%add3A_352, %dma_wait3A_363] : memref<16384x128xf32, #tpu.memory_space<hbm>> -> memref<128x128xf32, #tpu.memory_space<hbm>>
    tpu.wait_dma2 semaphore(%arg25 : memref<!tpu.dma_semaphore, #tpu.memory_space<semaphore_mem>>) src(%arg11 : memref<128x128xf32, #tpu.memory_space<vmem>>) dst(%dma_wait3A_364 : memref<128x128xf32, #tpu.memory_space<hbm>>)
    %dma_wait3A_365 = arith.constant 0 : i32
    %dma_wait3A_366 = tpu.memref_slice %arg7[%add3A_230, %dma_wait3A_365] : memref<16384x128xf32, #tpu.memory_space<hbm>> -> memref<128x128xf32, #tpu.memory_space<hbm>>
    %dma_wait3A_367 = arith.constant 0 : i32
    %dma_wait3A_368 = tpu.memref_slice %arg7[%add3A_230, %dma_wait3A_367] : memref<16384x128xf32, #tpu.memory_space<hbm>> -> memref<128x128xf32, #tpu.memory_space<hbm>>
    tpu.wait_dma2 semaphore(%arg26 : memref<!tpu.dma_semaphore, #tpu.memory_space<semaphore_mem>>) src(%arg12 : memref<128x128xf32, #tpu.memory_space<vmem>>) dst(%dma_wait3A_368 : memref<128x128xf32, #tpu.memory_space<hbm>>)
    %dma_wait3A_369 = arith.constant 0 : i32
    %dma_wait3A_370 = tpu.memref_slice %arg7[%add3A_254, %dma_wait3A_369] : memref<16384x128xf32, #tpu.memory_space<hbm>> -> memref<128x128xf32, #tpu.memory_space<hbm>>
    %dma_wait3A_371 = arith.constant 0 : i32
    %dma_wait3A_372 = tpu.memref_slice %arg7[%add3A_254, %dma_wait3A_371] : memref<16384x128xf32, #tpu.memory_space<hbm>> -> memref<128x128xf32, #tpu.memory_space<hbm>>
    tpu.wait_dma2 semaphore(%arg27 : memref<!tpu.dma_semaphore, #tpu.memory_space<semaphore_mem>>) src(%arg13 : memref<128x128xf32, #tpu.memory_space<vmem>>) dst(%dma_wait3A_372 : memref<128x128xf32, #tpu.memory_space<hbm>>)
    %dma_wait3A_373 = arith.constant 0 : i32
    %dma_wait3A_374 = tpu.memref_slice %arg7[%add3A_278, %dma_wait3A_373] : memref<16384x128xf32, #tpu.memory_space<hbm>> -> memref<128x128xf32, #tpu.memory_space<hbm>>
    %dma_wait3A_375 = arith.constant 0 : i32
    %dma_wait3A_376 = tpu.memref_slice %arg7[%add3A_278, %dma_wait3A_375] : memref<16384x128xf32, #tpu.memory_space<hbm>> -> memref<128x128xf32, #tpu.memory_space<hbm>>
    tpu.wait_dma2 semaphore(%arg28 : memref<!tpu.dma_semaphore, #tpu.memory_space<semaphore_mem>>) src(%arg14 : memref<128x128xf32, #tpu.memory_space<vmem>>) dst(%dma_wait3A_376 : memref<128x128xf32, #tpu.memory_space<hbm>>)
    %dma_wait3A_377 = arith.constant 0 : i32
    %dma_wait3A_378 = tpu.memref_slice %arg8[%add3A_302, %dma_wait3A_377] : memref<16384x128xf32, #tpu.memory_space<hbm>> -> memref<128x128xf32, #tpu.memory_space<hbm>>
    %dma_wait3A_379 = arith.constant 0 : i32
    %dma_wait3A_380 = tpu.memref_slice %arg8[%add3A_302, %dma_wait3A_379] : memref<16384x128xf32, #tpu.memory_space<hbm>> -> memref<128x128xf32, #tpu.memory_space<hbm>>
    tpu.wait_dma2 semaphore(%arg29 : memref<!tpu.dma_semaphore, #tpu.memory_space<semaphore_mem>>) src(%arg15 : memref<128x128xf32, #tpu.memory_space<vmem>>) dst(%dma_wait3A_380 : memref<128x128xf32, #tpu.memory_space<hbm>>)
    %dma_wait3A_381 = arith.constant 0 : i32
    %dma_wait3A_382 = tpu.memref_slice %arg8[%add3A_326, %dma_wait3A_381] : memref<16384x128xf32, #tpu.memory_space<hbm>> -> memref<128x128xf32, #tpu.memory_space<hbm>>
    %dma_wait3A_383 = arith.constant 0 : i32
    %dma_wait3A_384 = tpu.memref_slice %arg8[%add3A_326, %dma_wait3A_383] : memref<16384x128xf32, #tpu.memory_space<hbm>> -> memref<128x128xf32, #tpu.memory_space<hbm>>
    tpu.wait_dma2 semaphore(%arg30 : memref<!tpu.dma_semaphore, #tpu.memory_space<semaphore_mem>>) src(%arg16 : memref<128x128xf32, #tpu.memory_space<vmem>>) dst(%dma_wait3A_384 : memref<128x128xf32, #tpu.memory_space<hbm>>)
    return
  }
}

module attributes {stable_mosaic.version = 14 : i64} {
  func.func @_trig_body(%arg0: memref<1x128xf32, #tpu.memory_space<vmem>>, %arg1: memref<368x256xbf16, #tpu.memory_space<vmem>>) attributes {dimension_semantics = [], scalar_prefetch = 0 : i64, scratch_operands = 0 : i64, tpu.core_type = #tpu.core_type<tc>} {
    %iota3A = tpu.iota {dimensions = array<i32: 0>} : vector<368x128xi32>
    %convert_element_type3A = arith.sitofp %iota3A : vector<368x128xi32> to vector<368x128xf32>
    %get3A = arith.constant 0 : index
    %get3A_0 = arith.constant 0 : index
    %get3A_1 = vector.load %arg0[%get3A, %get3A_0] : memref<1x128xf32, #tpu.memory_space<vmem>>, vector<1x128xf32>
    %mul3A = vector.broadcast %get3A_1 : vector<1x128xf32> to vector<368x128xf32>
    %mul3A_2 = arith.mulf %convert_element_type3A, %mul3A : vector<368x128xf32>
    %cos3A = math.cos %mul3A_2 : vector<368x128xf32>
    %convert_element_type3A_3 = arith.truncf %cos3A : vector<368x128xf32> to vector<368x128xbf16>
    %swap3A = arith.constant 0 : index
    %swap3A_4 = arith.constant 0 : index
    %swap3A_5 = vector.load %arg1[%swap3A, %swap3A_4] : memref<368x256xbf16, #tpu.memory_space<vmem>>, vector<368x128xbf16>
    tpu.vector_store %arg1[%swap3A, %swap3A_4], %convert_element_type3A_3 {strides = array<i32>} : memref<368x256xbf16, #tpu.memory_space<vmem>>, vector<368x128xbf16>,
    %sin3A = math.sin %mul3A_2 : vector<368x128xf32>
    %convert_element_type3A_6 = arith.truncf %sin3A : vector<368x128xf32> to vector<368x128xbf16>
    %swap3A_7 = arith.constant 0 : index
    %swap3A_8 = arith.constant 128 : index
    %swap3A_9 = vector.load %arg1[%swap3A_7, %swap3A_8] : memref<368x256xbf16, #tpu.memory_space<vmem>>, vector<368x128xbf16>
    tpu.vector_store %arg1[%swap3A_7, %swap3A_8], %convert_element_type3A_6 {strides = array<i32>} : memref<368x256xbf16, #tpu.memory_space<vmem>>, vector<368x128xbf16>,
    return
  }
}

module attributes {stable_mosaic.version = 14 : i64} {
  func.func @_tc_rel_body(%arg0: i32, %arg1: memref<1x1x1024xi32, #tpu.memory_space<vmem>>, %arg2: memref<1x1x1024xi32, #tpu.memory_space<vmem>>, %arg3: memref<500x256xbf16, #tpu.memory_space<vmem>>, %arg4: memref<368x256xbf16, #tpu.memory_space<vmem>>, %arg5: memref<1024x128xf32, #tpu.memory_space<vmem>>, %arg6: memref<1024x128xf32, #tpu.memory_space<vmem>>) attributes {dimension_semantics = [#tpu.dimension_semantics<arbitrary>], iteration_bounds = array<i64: 16>, scalar_prefetch = 0 : i64, scratch_operands = 0 : i64, tpu.core_type = #tpu.core_type<tc>, window_params = [{transform_indices = @transform_0, window_bounds = array<i64: 1, 1, 1024>}, {transform_indices = @transform_1, window_bounds = array<i64: 1, 1, 1024>}, {pipeline_mode = #tpu.pipeline_mode<synchronous>, transform_indices = @transform_2, window_bounds = array<i64: 500, 256>}, {pipeline_mode = #tpu.pipeline_mode<synchronous>, transform_indices = @transform_3, window_bounds = array<i64: 368, 256>}, {transform_indices = @transform_4, window_bounds = array<i64: 1024, 128>}, {transform_indices = @transform_5, window_bounds = array<i64: 1024, 128>}]} {
    %get3A = arith.constant 0 : index
    %get3A_0 = arith.constant 0 : index
    %get3A_1 = arith.constant 0 : index
    %get3A_2 = vector.load %arg1[%get3A, %get3A_0, %get3A_1] : memref<1x1x1024xi32, #tpu.memory_space<vmem>>, vector<1x1x1024xi32>
    %get3A_3 = vector.shape_cast %get3A_2 : vector<1x1x1024xi32> to vector<1x1024xi32>
    %get3A_4 = arith.constant 0 : index
    %get3A_5 = arith.constant 0 : index
    %get3A_6 = arith.constant 0 : index
    %get3A_7 = vector.load %arg2[%get3A_4, %get3A_5, %get3A_6] : memref<1x1x1024xi32, #tpu.memory_space<vmem>>, vector<1x1x1024xi32>
    %get3A_8 = vector.shape_cast %get3A_7 : vector<1x1x1024xi32> to vector<1x1024xi32>
    %iota3A = tpu.iota {dimensions = array<i32: 0>} : vector<500x1024xi32>
    %eq3A = vector.broadcast %get3A_3 : vector<1x1024xi32> to vector<500x1024xi32>
    %eq3A_9 = arith.cmpi eq, %eq3A, %iota3A : vector<500x1024xi32>
    %convert_element_type3A = arith.extui %eq3A_9 : vector<500x1024xi1> to vector<500x1024xi32>
    %convert_element_type3A_10 = arith.sitofp %convert_element_type3A : vector<500x1024xi32> to vector<500x1024xf32>
    %convert_element_type3A_11 = arith.truncf %convert_element_type3A_10 : vector<500x1024xf32> to vector<500x1024xbf16>
    %iota3A_12 = tpu.iota {dimensions = array<i32: 0>} : vector<368x1024xi32>
    %eq3A_13 = vector.broadcast %get3A_8 : vector<1x1024xi32> to vector<368x1024xi32>
    %eq3A_14 = arith.cmpi eq, %eq3A_13, %iota3A_12 : vector<368x1024xi32>
    %convert_element_type3A_15 = arith.extui %eq3A_14 : vector<368x1024xi1> to vector<368x1024xi32>
    %convert_element_type3A_16 = arith.sitofp %convert_element_type3A_15 : vector<368x1024xi32> to vector<368x1024xf32>
    %convert_element_type3A_17 = arith.truncf %convert_element_type3A_16 : vector<368x1024xf32> to vector<368x1024xbf16>
    %get3A_18 = arith.constant 0 : index
    %get3A_19 = arith.constant 0 : index
    %get3A_20 = vector.load %arg3[%get3A_18, %get3A_19] : memref<500x256xbf16, #tpu.memory_space<vmem>>, vector<500x256xbf16>
    %dot_general3A = arith.constant dense<0.000000e+00> : vector<1024x256xf32>
    %dot_general3A_21 = tpu.matmul %convert_element_type3A_11, %get3A_20, %dot_general3A {dimension_numbers = #tpu.dot_dimension_numbers<[0], [0], [1], [1], [0, 1, 1, 1], [], []>, transpose_lhs_hint = false} : vector<500x1024xbf16>, vector<500x256xbf16>, vector<1024x256xf32> -> vector<1024x256xf32>
    %get3A_22 = arith.constant 0 : index
    %get3A_23 = arith.constant 0 : index
    %get3A_24 = vector.load %arg4[%get3A_22, %get3A_23] : memref<368x256xbf16, #tpu.memory_space<vmem>>, vector<368x256xbf16>
    %dot_general3A_25 = arith.constant dense<0.000000e+00> : vector<1024x256xf32>
    %dot_general3A_26 = tpu.matmul %convert_element_type3A_17, %get3A_24, %dot_general3A_25 {dimension_numbers = #tpu.dot_dimension_numbers<[0], [0], [1], [1], [0, 1, 1, 1], [], []>, transpose_lhs_hint = false} : vector<368x1024xbf16>, vector<368x256xbf16>, vector<1024x256xf32> -> vector<1024x256xf32>
    %slice3A = vector.extract_strided_slice %dot_general3A_21 {offsets = [0, 0], sizes = [1024, 128], strides = [1, 1]} : vector<1024x256xf32> to vector<1024x128xf32>
    %slice3A_27 = vector.extract_strided_slice %dot_general3A_21 {offsets = [0, 128], sizes = [1024, 128], strides = [1, 1]} : vector<1024x256xf32> to vector<1024x128xf32>
    %slice3A_28 = vector.extract_strided_slice %dot_general3A_26 {offsets = [0, 0], sizes = [1024, 128], strides = [1, 1]} : vector<1024x256xf32> to vector<1024x128xf32>
    %slice3A_29 = vector.extract_strided_slice %dot_general3A_26 {offsets = [0, 128], sizes = [1024, 128], strides = [1, 1]} : vector<1024x256xf32> to vector<1024x128xf32>
    %mul3A = arith.mulf %slice3A_28, %slice3A : vector<1024x128xf32>
    %mul3A_30 = arith.mulf %slice3A_29, %slice3A_27 : vector<1024x128xf32>
    %sub3A = arith.subf %mul3A, %mul3A_30 : vector<1024x128xf32>
    %swap3A = arith.constant 0 : index
    %swap3A_31 = arith.constant 0 : index
    %swap3A_32 = vector.load %arg5[%swap3A, %swap3A_31] : memref<1024x128xf32, #tpu.memory_space<vmem>>, vector<1024x128xf32>
    tpu.vector_store %arg5[%swap3A, %swap3A_31], %sub3A {strides = array<i32>} : memref<1024x128xf32, #tpu.memory_space<vmem>>, vector<1024x128xf32>,
    %mul3A_33 = arith.mulf %slice3A_28, %slice3A_27 : vector<1024x128xf32>
    %mul3A_34 = arith.mulf %slice3A_29, %slice3A : vector<1024x128xf32>
    %add3A = arith.addf %mul3A_33, %mul3A_34 : vector<1024x128xf32>
    %swap3A_35 = arith.constant 0 : index
    %swap3A_36 = arith.constant 0 : index
    %swap3A_37 = vector.load %arg6[%swap3A_35, %swap3A_36] : memref<1024x128xf32, #tpu.memory_space<vmem>>, vector<1024x128xf32>
    tpu.vector_store %arg6[%swap3A_35, %swap3A_36], %add3A {strides = array<i32>} : memref<1024x128xf32, #tpu.memory_space<vmem>>, vector<1024x128xf32>,
    return
  }
  func.func @transform_0(%arg0: i32) -> (i32, i32, i32) {
    %c0_i32 = arith.constant 0 : i32
    %c0_i32_0 = arith.constant 0 : i32
    %c0_i32_1 = arith.constant 0 : i32
    return %arg0, %c0_i32, %c0_i32_0 : i32, i32, i32
  }
  func.func @transform_1(%arg0: i32) -> (i32, i32, i32) {
    %c0_i32 = arith.constant 0 : i32
    %c0_i32_0 = arith.constant 0 : i32
    %c0_i32_1 = arith.constant 0 : i32
    return %arg0, %c0_i32, %c0_i32_0 : i32, i32, i32
  }
  func.func @transform_2(%arg0: i32) -> (i32, i32) {
    %c0_i32 = arith.constant 0 : i32
    %c0_i32_0 = arith.constant 0 : i32
    %c0_i32_1 = arith.constant 0 : i32
    return %c0_i32, %c0_i32_0 : i32, i32
  }
  func.func @transform_3(%arg0: i32) -> (i32, i32) {
    %c0_i32 = arith.constant 0 : i32
    %c0_i32_0 = arith.constant 0 : i32
    %c0_i32_1 = arith.constant 0 : i32
    return %c0_i32, %c0_i32_0 : i32, i32
  }
  func.func @transform_4(%arg0: i32) -> (i32, i32) {
    %c0_i32 = arith.constant 0 : i32
    %c0_i32_0 = arith.constant 0 : i32
    return %arg0, %c0_i32 : i32, i32
  }
  func.func @transform_5(%arg0: i32) -> (i32, i32) {
    %c0_i32 = arith.constant 0 : i32
    %c0_i32_0 = arith.constant 0 : i32
    return %arg0, %c0_i32 : i32, i32
  }
}

</mosaic_0001>

<sc_bundles>
// kernel: kernel.5.cloned.1.call-start
scs
__scs_entry_jumppad:
0x0: {  	(pc) =	sbr.rel $0x88, $3  }
0x1: {  	(tag) =	ssettag $0x0;
	lr =	simm.s32 $0x1  }
0x2: {  	[smem:$0x3F98] =	sst lr;
	_ =	strace $0xD0000000  }
0x3: {  	_ = 	snop  }
0x4: {  	_ = 	snop  }
0x5: {  	_ = 	snop  }
0x6: {  	_ = 	snop  }
0x7: {  	_ = 	snop  }
__scs_overlays_trampoline_lowered:
0x8: {  	[smem:$0x3FA7] =	sst s0  }
0x9: {  	[smem:$0x3FA8] =	sst s1  }
0xa: {  	[smem:$0x3FA9] =	sst s2  }
0xb: {  	[smem:$0x3FAA] =	sst s3  }
0xc: {  	[smem:$0x3FAB] =	sst s4  }
0xd: {  	[smem:$0x3FAC] =	sst s5  }
0xe: {  	[smem:$0x3FAD] =	sst s6  }
0xf: {  	[smem:$0x3FAE] =	sst s7  }
0x10: {  	[smem:$0x3FAF] =	sst s8  }
0x11: {  	[smem:$0x3FB0] =	sst s9;
	s0 =	simm.s32 @!p0 $0x0  }
0x12: {  	s1 =	sld [smem:$0x3F96];
	s0 =	simm.s32 @p0 $0x1  }
0x13: {  	[smem:$0x3FB1] =	sst s0;
	s0 =	simm.s32 @!p1 $0x0  }
0x14: {  	s2 =	sld [smem:$0x3F95];
	s0 =	simm.s32 @p1 $0x1  }
0x15: {  	[smem:$0x3FB2] =	sst s0;
	s0 =	simm.s32 @!p2 $0x0  }
0x16: {  	s3 =	sld [smem:$0x3FDB];
	s0 =	simm.s32 @p2 $0x1  }
0x17: {  	s4 =	simm.s32 $0x1BF5;
	[smem:$0x3FB4] =	sst s0  }
0x18: {  	s0 =	sld [smem:$0x3F97];
	_ =	swait.ge [sflag:s4], $0x0  }
0x19: {  	s7 =	sld [smem:$0x3F98]  }
0x1a: {  	s8 =	sadd.s32 $0xFFFFE003, lr  }
0x1b: {  	s9 =	sadd.s32 $0xFFFFFEF7, lr;
	s5 =	simm.s32 $0xFFFFFFFF;
	p2 =	slt.u32 s8, $0xFFFFF086  }
0x1c: {  	p1 =	slt.u32 s9, $0xF7A;
	s5 =	simm.s32 @!p2 $0x0  }
0x1d: {  	s5 =	simm.s32 @p1 $0x1;
	p0 =	seq.s32 s7, s2  }
0x1e: {  	s7 =	smul.u32 @!p0 $0xF7A, s2;
	p2 =	seq.s32 @!p0 s5, $0x0  }
0x1f: {  	s9 =	smul.u32 $0xF7A, s1;
	s8 =	simm.s32 @!p0 $0x1BF5;
	p2 =	por !p2, p0  }
0x20: {  	[sflag:s8] =	ssyncset.s32 @!p0 $0xFFFFF086;
	s6 =	sadd.s32 @!p0 s3, s7;
	s7 =	simm.s32 @!p0 $0x108  }
0x21: {  	s3 =	sadd.s32 s3, s9;
	s6 =	sadd.s32 @!p0 $0x88, s6;
	s7 =	simm.s32 @p2 $0x1082  }
0x22: {  	[simem:s7], [sflag:s8] =	dma.local @!p0 [hbm:s6], $0xF7A  }
0x23: {  	s9 =	sor.u32 $0xD0000000, s2;
	s6 =	simm.s32 $0x108;
	_ =	swait.ge @!p0 [sflag:s8], $0x0  }
0x24: {  	s3 =	sadd.s32 $0x88, s3;
	s6 =	simm.s32 @!p1 $0x1082;
	[sflag:s4] =	ssyncset.s32 $0xFFFFF086  }
0x25: {  	[simem:s6], [sflag:s4] =	dma.local [hbm:s3], $0xF7A  }
0x26: {  	[smem:$0x3F98] =	sst s1;
	(tag) =	ssettag s2;
	_ =	strace s9  }
0x27: {  	s1 =	sld [smem:$0x3FA8]  }
0x28: {  	s2 =	sld [smem:$0x3FA9]  }
0x29: {  	s4 =	sld [smem:$0x3FAB]  }
0x2a: {  	p0 =	seq.s32 s5, $0x0;
	s5 =	sld [smem:$0x3FAC]  }
0x2b: {  	s6 =	sld [smem:$0x3FAD]  }
0x2c: {  	s7 =	sld [smem:$0x3FAE]  }
0x2d: {  	s3 =	simm.s32 $0x108;
	s8 =	sld [smem:$0x3FAF]  }
0x2e: {  	s3 =	simm.s32 @!p0 $0x1082;
	s9 =	sld [smem:$0x3FB0]  }
0x2f: {  	lr =	sadd.s32 s0, s3;
	s0 =	sld [smem:$0x3FA7]  }
0x30: {  	s3 =	sld [smem:$0x3FAA]  }
0x31: {  	[smem:$0x3FB3] =	sst s10  }
0x32: {  	s10 =	sld [smem:$0x3FB1];
	_ =	sdelay $0x3  }
0x33: {  	p0 =	seq.s32 s10, $0x1;
	s10 =	sld [smem:$0x3FB3];
	_ =	sdelay $0x3  }
0x34: {  	[smem:$0x3FB3] =	sst s10  }
0x35: {  	s10 =	sld [smem:$0x3FB2];
	_ =	sdelay $0x3  }
0x36: {  	p1 =	seq.s32 s10, $0x1;
	s10 =	sld [smem:$0x3FB3];
	_ =	sdelay $0x3  }
0x37: {  	[smem:$0x3FB3] =	sst s10  }
0x38: {  	s10 =	sld [smem:$0x3FB4]  }
0x39: {  	_ = 	snop;
	(pc) =	sbr.ind lr, $3  }
0x3a: {  	_ = 	snop  }
0x3b: {  	_ = 	snop  }
0x3c: {  	p2 =	seq.s32 s10, $0x1;
	s10 =	sld [smem:$0x3FB3]  }
0x3d: {  	_ =	shalt  }
0x3e: {  	_ =	shalt  }
0x3f: {  	_ =	shalt  }
0x40: {  	_ =	shalt  }
0x41: {  	_ =	shalt  }
0x42: {  	_ =	shalt  }
0x43: {  	_ =	shalt  }
0x44: {  	_ =	shalt  }
0x45: {  	_ =	shalt  }
0x46: {  	_ =	shalt  }
0x47: {  	_ =	shalt  }
0x48: {  	_ =	shalt  }
0x49: {  	_ =	shalt  }
0x4a: {  	_ =	shalt  }
0x4b: {  	_ =	shalt  }
0x4c: {  	_ =	shalt  }
0x4d: {  	_ =	shalt  }
0x4e: {  	_ =	shalt  }
0x4f: {  	_ =	shalt  }
0x50: {  	_ =	shalt  }
0x51: {  	_ =	shalt  }
0x52: {  	_ =	shalt  }
0x53: {  	_ =	shalt  }
0x54: {  	_ =	shalt  }
0x55: {  	_ =	shalt  }
0x56: {  	_ =	shalt  }
0x57: {  	_ =	shalt  }
0x58: {  	_ =	shalt  }
0x59: {  	_ =	shalt  }
0x5a: {  	_ =	shalt  }
0x5b: {  	_ =	shalt  }
0x5c: {  	_ =	shalt  }
0x5d: {  	_ =	shalt  }
0x5e: {  	_ =	shalt  }
0x5f: {  	_ =	shalt  }
0x60: {  	_ =	shalt  }
0x61: {  	_ =	shalt  }
0x62: {  	_ =	shalt  }
0x63: {  	_ =	shalt  }
0x64: {  	_ =	shalt  }
0x65: {  	_ =	shalt  }
0x66: {  	_ =	shalt  }
0x67: {  	_ =	shalt  }
0x68: {  	_ =	shalt  }
0x69: {  	_ =	shalt  }
0x6a: {  	_ =	shalt  }
0x6b: {  	_ =	shalt  }
0x6c: {  	_ =	shalt  }
0x6d: {  	_ =	shalt  }
0x6e: {  	_ =	shalt  }
0x6f: {  	_ =	shalt  }
0x70: {  	_ =	shalt  }
0x71: {  	_ =	shalt  }
0x72: {  	_ =	shalt  }
0x73: {  	_ =	shalt  }
0x74: {  	_ =	shalt  }
0x75: {  	_ =	shalt  }
0x76: {  	_ =	shalt  }
0x77: {  	_ =	shalt  }
0x78: {  	_ =	shalt  }
0x79: {  	_ =	shalt  }
0x7a: {  	_ =	shalt  }
0x7b: {  	_ =	shalt  }
0x7c: {  	_ =	shalt  }
0x7d: {  	_ =	shalt  }
0x7e: {  	_ =	shalt  }
0x7f: {  	_ =	shalt  }
0x80: {  	_ =	shalt  }
0x81: {  	_ =	shalt  }
0x82: {  	_ =	shalt  }
0x83: {  	_ =	shalt  }
0x84: {  	_ =	shalt  }
0x85: {  	_ =	shalt  }
0x86: {  	_ =	shalt  }
0x87: {  	_ =	shalt  }
.Lfunc_end0:
.L_simem_size_0:
called_computation_lowered:
.L_overlay_start_0:
0x88: {  	s2 =	sld [smem:$0x3FD9]  }
0x89: {  	s3 =	sld [smem:$0x3FFE];
	_ =	sdelay $0x1  }
0x8a: {  	s1 =	srdreg.scid  }
0x8b: {  	s0 =	sand.u32 $0x1, s1  }
0x8c: {  	s14 =	sshll.u32 s0, $0xA;
	s2 =	sadd.s32 s3, s2  }
0x8d: {  	s2 =	sadd.s32 s2, s14  }
0x8e: {  	[smem:$0x3FBF] =	sst s2  }
0x8f: {  	_ = 	snop  }
0x90: {  	s2 =	sld [smem:$0x3FD0];
	_ =	sdelay $0x1  }
0x91: {  	s15 =	sld [smem:$0x3FC5]  }
0x92: {  	s5 =	simm.s32 $0xA;
	s6 =	simm.s32 $0x10;
	s4 =	sld [smem:$0x3FC4]  }
0x93: {  	[smem:s6], [sflag:s5] =	dma.local [hbm:s2], $0x1  }
0x94: {  	_ =	swait.eq [sflag:s5], $0x1  }
0x95: {  	s16 =	sld [smem:$0x10]  }
0x96: {  	s17 =	sld [smem:$0x12];
	[sflag:s5] =	ssyncset.done $0x0  }
0x97: {  	s7 =	sld [smem:$0x13];
	[sflag:s5] =	ssyncadd.s32 $0xFFFFFFFF  }
0x98: {  	s18 =	sld [smem:$0x15];
	(tm) =	ssettm $0x1  }
0x99: {  	s8 =	sld [smem:$0x3FFB];
	_ =	sdelay $0x3  }
0x9a: {  	_ =	strace s8  }
0x9b: {  	s8 =	sld [smem:$0x3FFC];
	_ =	sdelay $0x3  }
0x9c: {  	_ =	strace s8  }
0x9d: {  	s8 =	sld [smem:$0x3FFD];
	_ =	sdelay $0x3  }
0x9e: {  	_ =	strace s8  }
0x9f: {  	_ =	strace $0x8FFFFFFF  }
0xa0: {  	s19 =	sld [smem:$0x3FDB];
	_ =	sdelay $0x1  }
0xa1: {  	s9 =	simm.s32 $_scs_section_size  }
0xa2: {  	s10 =	simm.s32 $_size__tile_overlayer_lowered;
	s11 =	simm.s32 $_tile_overlayer_lowered  }
0xa3: {  	s22 =	simm.s32 $0x1BFF;
	s21 =	sshll.u32 s11, $0x1;
	s8 =	sadd.s32 s9, s19  }
0xa4: {  	s12 =	simm.s32 $0x0;
	s20 =	sshll.u32 s10, $0x1;
	s10 =	sadd.s32 s21, s8  }
0xa5: {  	[timem:s12], [sflag:s22] =	dma.local [hbm:s10], s20  }
0xa6: {  	_ =	swait.ge [sflag:s22], s20  }
0xa7: {  	s9 =	ssub.s32 $0x0, s20;
	[sflag:s22] =	ssyncset.done $0x0  }
0xa8: {  	[sflag:s22] =	ssyncadd.s32 s9;
	_ =	sdelay $0x1  }
0xa9: {  	s23 =	simm.s32 $0x1B8B  }
0xaa: {  	_ =	swait.ge [sflag:s23], $0x1  }
0xab: {  	[sflag:s23] =	ssyncset.done $0x0  }
0xac: {  	s25 =	simm.s32 $0x1B8E;
	s24 =	sld [smem:$0x3FFE];
	[sflag:s23] =	ssyncadd.s32 $0xFFFFFFFF  }
0xad: {  	s26 =	simm.s32 $execute0_lowered;
	[smem:$0x3FD2] =	sst s25  }
0xae: {  	s10 =	sshll.u32 s26, $0x1;
	_ =	strace $0x80000046;
	[dreg:$0x1] =	wrdreg $0xFFFFFFFF  }
0xaf: {  	s28 =	simm.s32 $_size_execute0_lowered;
	s8 =	sadd.s32 s8, s10;
	[dreg:$0x0] =	wrdreg $0x0  }
0xb0: {  	s10 =	sshll.u32 s28, $0x1;
	[dreg:$0x2] =	wrdreg s8  }
0xb1: {  	[dreg:$0x3] =	wrdreg s10  }
0xb2: {  	[dreg:$0x4] =	wrdreg $0xC0  }
0xb3: {  	_ =	task [dreg:s12], $0x5FFFF  }
0xb4: {  	[dreg:$0x1] =	wrdreg $0xFFFFFFFF  }
0xb5: {  	[dreg:$0x0] =	wrdreg $0x60  }
0xb6: {  	[dreg:$0x2] =	wrdreg s24  }
0xb7: {  	[dreg:$0x3] =	wrdreg s15  }
0xb8: {  	[dreg:$0x4] =	wrdreg s4  }
0xb9: {  	[dreg:$0x5] =	wrdreg s16  }
0xba: {  	[dreg:$0x6] =	wrdreg s17  }
0xbb: {  	[dreg:$0x7] =	wrdreg s7  }
0xbc: {  	[dreg:$0x8] =	wrdreg s18  }
0xbd: {  	[dreg:$0x9] =	wrdreg $0x9  }
0xbe: {  	_ =	task.clear_ibuf [dreg:s12], $0xAFFFF;
	_ =	strace $0x90000046  }
0xbf: {  	s29 =	simm.s32 $0x9;
	_ =	strace $0x80000048  }
0xc0: {  	_ =	swait.ge [sflag:s29], $0x1  }
0xc1: {  	[sflag:s29] =	ssyncadd.s32 $0xFFFFFFFF  }
0xc2: {  	_ =	strace $0x90000048  }
0xc3: {  	_ =	sfence  }
0xc4: {  	s30 =	sld [smem:$0x0];
	_ =	sdelay $0x2  }
0xc5: {  	s31 =	sshll.u32 s1, $0xD;
	s1 =	sshrl.u32 s1, $0x2  }
0xc6: {  	s3 =	sand.u32 $0x4000, s31;
	s1 =	sadd.s32 s1, s30  }
0xc7: {  	s0 =	sor.u32 s3, s0;
	s1 =	sshll.u32 s1, $0x11  }
0xc8: {  	s0 =	sor.u32 s1, s0  }
0xc9: {  	s0 =	sadd.s32 $0x8F2B, s0  }
0xca: {  	[sflag:s0] =	ssyncadd.remote.s32 $0x1  }
0xcb: {  	_ =	sfence.sel $0xFFFF  }
0xcc: {  	[dreg:$0x0] =	wrdreg $0xFFFFFFFF;
	(pc) =	sbr.abs _section_cstart, $3  }
0xcd: {  	[dreg:$0x1] =	wrdreg $0xFFFFFFFF  }
0xce: {  	_ =	task.clear_ibuf [dreg:s12], $0x2FFFF;
	_ =	strace $0x9FFFFFFF  }
0xcf: {  	(tm) =	ssettm $0x7FFFFFFF  }
tec
execute0_lowered:
.L_overlay_start_1:
0x0: {  	(tag) =	ssettag $0x1  }
0x1: {  	s0 =	rddreg [dreg:$0x0]  }
0x2: {  	s17 =	rddreg [dreg:$0x1]  }
0x3: {  	s3 =	rddreg [dreg:$0x2]  }
0x4: {  	s1 =	rddreg [dreg:$0x3]  }
0x5: {  	s4 =	rddreg [dreg:$0x4];
	s2 =	srdreg.scid  }
0x6: {  	s7 =	stileid.u32;
	s5 =	rddreg [dreg:$0x5]  }
0x7: {  	s28 =	simm.s32 $0x8400;
	s6 =	sand.u32 $0x1, s2;
	s24 =	sshll.u32 s7, $0x1  }
0x8: {  	s30 =	simm.s32 $0x4;
	s7 =	rddreg [dreg:$0x6];
	s8 =	sor.u32 s6, s24  }
0x9: {  	s2 =	simm.s32 $0x0;
	s9 =	sshll.u32 s8, $0x7;
	s8 =	sshll.u32 s8, $0xD  }
0xa: {  	p0 =	por $0x0, $0x0;
	[smem:$0x7FF] =	sst s2;
	s25 =	sadd.s32 s1, s8  }
0xb: {  	_ =	strace $0x80000047;
	s13 =	sadd.s32 s4, s8;
	[dreg:$0x9] =	wrdreg s25  }
0xc: {  	s23 =	ssub.s32 $0x2, s6;
	s18 =	sadd.s32 s5, s8;
	[dreg:$0xd] =	wrdreg s13  }
0xd: {  	s0 =	sadd.s32 s9, s0;
	s22 =	sadd.s32 s7, s8;
	[dreg:$0x11] =	wrdreg s18  }
0xe: {  	s26 =	sor.u32 $0x800, s8;
	s0 =	sadd.s32 $0x1400, s0;
	[dreg:$0x15] =	wrdreg s22  }
0xf: {  	s10 =	sor.u32 $0x1000, s8;
	s29 =	sadd.s32 s1, s26;
	[dreg:$0x8] =	wrdreg s0  }
0x10: {  	s11 =	sor.u32 $0x1800, s8;
	s31 =	sadd.s32 s1, s10;
	[dreg:$0xa] =	wrdreg s29  }
0x11: {  	s6 =	simm.s32 $0x2;
	s12 =	sadd.s32 s1, s11;
	[dreg:$0xb] =	wrdreg s31  }
0x12: {  	s8 =	simm.s32 $0x1;
	s14 =	sadd.s32 s4, s26;
	[dreg:$0xc] =	wrdreg s12  }
0x13: {  	s15 =	sadd.s32 s4, s10;
	s16 =	sadd.s32 s4, s11;
	[dreg:$0xe] =	wrdreg s14  }
0x14: {  	s19 =	sadd.s32 s5, s26;
	s20 =	sadd.s32 s5, s10;
	[dreg:$0xf] =	wrdreg s15  }
0x15: {  	s21 =	sadd.s32 s5, s11;
	s24 =	sadd.s32 s7, s26;
	[dreg:$0x10] =	wrdreg s16  }
0x16: {  	s25 =	sshrl.u32 s23, $0x1;
	s26 =	sadd.s32 s7, s10;
	[dreg:$0x12] =	wrdreg s19  }
0x17: {  	s5 =	simm.s32 $0x400;
	s4 =	simm.s32 $0x4400;
	[dreg:$0x13] =	wrdreg s20  }
0x18: {  	s18 =	simm.s32 $0x14400;
	s13 =	simm.s32 $0xB;
	[dreg:$0x14] =	wrdreg s21  }
0x19: {  	s10 =	simm.s32 $0xC;
	[dreg:$0x16] =	wrdreg s24;
	s1 =	ssub.s32 s23, s25  }
0x1a: {  	[dreg:$0x17] =	wrdreg s26;
	s29 =	sadd.s32 s7, s11;
	s31 =	smax.u32 s1, $0x1  }
0x1b: {  	s0 =	simm.s32 $0xF;
	s11 =	simm.s32 $0x80;
	p1 =	sne.s32 s31, $0x1  }
.Ltmp0:
0x1c: {  	s24 =	simm.s32 $0xC400;
	s21 =	simm.s32 $0x10400;
	(pc) =	sbr.rel @!p1 .LBB2_5-.Ltmp0, $4  }
0x1d: {  	s16 =	simm.s32 $0x18400;
	s26 =	simm.s32 $0x5;
	s12 =	simm.s32 $0x8  }
0x1e: {  	s23 =	simm.s32 $0x6;
	s15 =	simm.s32 $0x9;
	s19 =	simm.s32 $0x7  }
0x1f: {  	s14 =	simm.s32 $0xA;
	s7 =	simm.s32 $0xE;
	[dreg:$0x18] =	wrdreg s29  }
0x20: {  	s1 =	simm.s32 $0x3;
	s25 =	rddreg [dreg:$0x8];
	s22 =	sadd.s32 $0xFFFFFFFF, s31  }
0x21: {  	[tilespmem:s2], [sflag:$0xF] =	stream.linear.gather [hbm4b:s25+s2], $0x400, $0x38;
	[tilespmem:$0x1C400] =	vst v63  }
0x22: {  	_ =	swait.ge [sflag:s0], $0x400  }
0x23: {  	[sflag:s0] =	ssyncset.done $0x0  }
0x24: {  	[sflag:s0] =	ssyncadd.s32 $0xFFFFFC00  }
0x25: {  	[tilespmem:s5], [sflag:$0x1] =	stream.indirect.gather [hbm4b:s17+s11], $0x80, s2, s11, $0xb8;
	[tilespmem:$0x1C400] =	vst v63  }
0x26: {  	_ = 	snop  }
0x27: {  	[tilespmem:s4], [sflag:$0x2] =	stream.indirect.gather [hbm4b:s17+s11], $0x80, s11, s11, $0xb8;
	[tilespmem:$0x1C400] =	vst v63  }
0x28: {  	s0 =	simm.s32 $0x100  }
0x29: {  	[tilespmem:s28], [sflag:$0x3] =	stream.indirect.gather [hbm4b:s17+s11], $0x80, s0, s11, $0xb8;
	[tilespmem:$0x1C400] =	vst v63  }
0x2a: {  	_ =	swait.ge [sflag:s8], $0x4000  }
0x2b: {  	[sflag:s8] =	ssyncset.done $0x0  }
0x2c: {  	s20 =	rddreg [dreg:$0x9];
	[sflag:s8] =	ssyncadd.s32 $0xFFFFC000  }
0x2d: {  	[hbm4b:s20+s2] =	stream.linear.scatter [tilespmem:s5], [sflag:$0x8], $0x4000, $0x38;
	[tilespmem:$0x1C400] =	vst v63  }
0x2e: {  	s31 =	simm.s32 $0x180  }
0x2f: {  	[tilespmem:s24], [sflag:$0x4] =	stream.indirect.gather [hbm4b:s17+s11], $0x80, s31, s11, $0xb8;
	[tilespmem:$0x1C400] =	vst v63  }
0x30: {  	_ =	swait.ge [sflag:s6], $0x4000  }
0x31: {  	[sflag:s6] =	ssyncset.done $0x0  }
0x32: {  	s29 =	rddreg [dreg:$0xa];
	[sflag:s6] =	ssyncadd.s32 $0xFFFFC000  }
0x33: {  	[hbm4b:s29+s2] =	stream.linear.scatter [tilespmem:s4], [sflag:$0x9], $0x4000, $0x38;
	[tilespmem:$0x1C400] =	vst v63  }
0x34: {  	s29 =	simm.s32 $0x200  }
0x35: {  	[tilespmem:s21], [sflag:$0x5] =	stream.indirect.gather [hbm4b:s17+s11], $0x80, s29, s11, $0xb8;
	[tilespmem:$0x1C400] =	vst v63  }
0x36: {  	_ =	swait.ge [sflag:s1], $0x4000  }
0x37: {  	[sflag:s1] =	ssyncset.done $0x0  }
0x38: {  	s5 =	rddreg [dreg:$0xb];
	[sflag:s1] =	ssyncadd.s32 $0xFFFFC000  }
0x39: {  	[hbm4b:s5+s2] =	stream.linear.scatter [tilespmem:s28], [sflag:$0xA], $0x4000, $0x38;
	[tilespmem:$0x1C400] =	vst v63  }
0x3a: {  	s20 =	simm.s32 $0x280  }
0x3b: {  	[tilespmem:s18], [sflag:$0x6] =	stream.indirect.gather [hbm4b:s17+s11], $0x80, s20, s11, $0xb8;
	[tilespmem:$0x1C400] =	vst v63  }
0x3c: {  	_ =	swait.ge [sflag:s30], $0x4000  }
0x3d: {  	[sflag:s30] =	ssyncset.done $0x0  }
0x3e: {  	s7 =	rddreg [dreg:$0xc];
	[sflag:s30] =	ssyncadd.s32 $0xFFFFC000  }
0x3f: {  	[hbm4b:s7+s2] =	stream.linear.scatter [tilespmem:s24], [sflag:$0xB], $0x4000, $0x38;
	[tilespmem:$0x1C400] =	vst v63  }
0x40: {  	s16 =	simm.s32 $0x300;
	s18 =	simm.s32 $0x18400  }
0x41: {  	[tilespmem:s18], [sflag:$0x7] =	stream.indirect.gather [hbm4b:s17+s11], $0x80, s16, s11, $0xb8;
	[tilespmem:$0x1C400] =	vst v63  }
0x42: {  	_ =	swait.ge [sflag:s26], $0x4000  }
0x43: {  	[sflag:s26] =	ssyncset.done $0x0  }
0x44: {  	s24 =	simm.s32 $0x10400;
	s9 =	rddreg [dreg:$0xd];
	[sflag:s26] =	ssyncadd.s32 $0xFFFFC000  }
0x45: {  	[hbm4b:s9+s2] =	stream.linear.scatter [tilespmem:s24], [sflag:$0xC], $0x4000, $0x38;
	[tilespmem:$0x1C400] =	vst v63  }
0x46: {  	_ =	swait.ge [sflag:s12], $0x4000  }
0x47: {  	[sflag:s12] =	ssyncset.done $0x0  }
0x48: {  	s7 =	simm.s32 $0x400;
	s9 =	simm.s32 $0x380;
	[sflag:s12] =	ssyncadd.s32 $0xFFFFC000  }
0x49: {  	[tilespmem:s7], [sflag:$0x1] =	stream.indirect.gather [hbm4b:s17+s11], $0x80, s9, s11, $0xb8;
	[tilespmem:$0x1C400] =	vst v63  }
0x4a: {  	_ =	swait.ge [sflag:s23], $0x4000  }
0x4b: {  	[sflag:s23] =	ssyncset.done $0x0  }
0x4c: {  	s21 =	simm.s32 $0x14400;
	s25 =	rddreg [dreg:$0xe];
	[sflag:s23] =	ssyncadd.s32 $0xFFFFC000  }
0x4d: {  	[hbm4b:s25+s2] =	stream.linear.scatter [tilespmem:s21], [sflag:$0xD], $0x4000, $0x38;
	[tilespmem:$0x1C400] =	vst v63  }
0x4e: {  	_ =	swait.ge [sflag:s15], $0x4000  }
0x4f: {  	[sflag:s15] =	ssyncset.done $0x0  }
0x50: {  	s5 =	simm.s32 $0x4400;
	[sflag:s15] =	ssyncadd.s32 $0xFFFFC000  }
0x51: {  	[tilespmem:s5], [sflag:$0x2] =	stream.indirect.gather [hbm4b:s3+s11], $0x80, s2, s11, $0xb8;
	[tilespmem:$0x1C400] =	vst v63  }
0x52: {  	_ =	swait.ge [sflag:s19], $0x4000  }
0x53: {  	[sflag:s19] =	ssyncset.done $0x0  }
0x54: {  	s25 =	rddreg [dreg:$0xf];
	[sflag:s19] =	ssyncadd.s32 $0xFFFFC000  }
0x55: {  	[hbm4b:s25+s2] =	stream.linear.scatter [tilespmem:s18], [sflag:$0xE], $0x4000, $0x38;
	[tilespmem:$0x1C400] =	vst v63  }
0x56: {  	_ =	swait.ge [sflag:s14], $0x4000  }
0x57: {  	[sflag:s14] =	ssyncset.done $0x0  }
0x58: {  	s4 =	simm.s32 $0x8400;
	[sflag:s14] =	ssyncadd.s32 $0xFFFFC000  }
0x59: {  	[tilespmem:s4], [sflag:$0x3] =	stream.indirect.gather [hbm4b:s3+s11], $0x80, s11, s11, $0xb8;
	[tilespmem:$0x1C400] =	vst v63  }
0x5a: {  	_ =	swait.ge [sflag:s8], $0x4000  }
0x5b: {  	[sflag:s8] =	ssyncset.done $0x0  }
0x5c: {  	s5 =	simm.s32 $0x400;
	s25 =	rddreg [dreg:$0x10];
	[sflag:s8] =	ssyncadd.s32 $0xFFFFC000  }
0x5d: {  	[hbm4b:s25+s2] =	stream.linear.scatter [tilespmem:s5], [sflag:$0x8], $0x4000, $0x38;
	[tilespmem:$0x1C400] =	vst v63  }
0x5e: {  	_ =	swait.ge [sflag:s13], $0x4000  }
0x5f: {  	[sflag:s13] =	ssyncset.done $0x0  }
0x60: {  	s28 =	simm.s32 $0xC400;
	[sflag:s13] =	ssyncadd.s32 $0xFFFFC000  }
0x61: {  	[tilespmem:s28], [sflag:$0x4] =	stream.indirect.gather [hbm4b:s3+s11], $0x80, s0, s11, $0xb8;
	[tilespmem:$0x1C400] =	vst v63  }
0x62: {  	_ =	swait.ge [sflag:s6], $0x4000  }
0x63: {  	[sflag:s6] =	ssyncset.done $0x0  }
0x64: {  	s4 =	simm.s32 $0x4400;
	s0 =	rddreg [dreg:$0x11];
	[sflag:s6] =	ssyncadd.s32 $0xFFFFC000  }
0x65: {  	[hbm4b:s0+s2] =	stream.linear.scatter [tilespmem:s4], [sflag:$0x9], $0x4000, $0x38;
	[tilespmem:$0x1C400] =	vst v63  }
0x66: {  	_ =	swait.ge [sflag:s10], $0x4000  }
0x67: {  	[sflag:s10] =	ssyncset.done $0x0  }
0x68: {  	[sflag:s10] =	ssyncadd.s32 $0xFFFFC000  }
0x69: {  	[tilespmem:s24], [sflag:$0x5] =	stream.indirect.gather [hbm4b:s3+s11], $0x80, s31, s11, $0xb8;
	[tilespmem:$0x1C400] =	vst v63  }
0x6a: {  	_ =	swait.ge [sflag:s1], $0x4000  }
0x6b: {  	s28 =	simm.s32 $0x8400;
	[sflag:s1] =	ssyncset.done $0x0  }
0x6c: {  	s0 =	simm.s32 $0xD;
	s31 =	rddreg [dreg:$0x12];
	[sflag:s1] =	ssyncadd.s32 $0xFFFFC000  }
0x6d: {  	[hbm4b:s31+s2] =	stream.linear.scatter [tilespmem:s28], [sflag:$0xA], $0x4000, $0x38;
	[tilespmem:$0x1C400] =	vst v63  }
0x6e: {  	_ =	swait.ge [sflag:s0], $0x4000  }
0x6f: {  	[sflag:s0] =	ssyncset.done $0x0  }
0x70: {  	[sflag:s0] =	ssyncadd.s32 $0xFFFFC000  }
0x71: {  	[tilespmem:s21], [sflag:$0x6] =	stream.indirect.gather [hbm4b:s3+s11], $0x80, s29, s11, $0xb8;
	[tilespmem:$0x1C400] =	vst v63  }
0x72: {  	_ =	swait.ge [sflag:s30], $0x4000  }
0x73: {  	s7 =	simm.s32 $0xE;
	[sflag:s30] =	ssyncset.done $0x0  }
0x74: {  	s24 =	simm.s32 $0xC400;
	s31 =	rddreg [dreg:$0x13];
	[sflag:s30] =	ssyncadd.s32 $0xFFFFC000  }
0x75: {  	[hbm4b:s31+s2] =	stream.linear.scatter [tilespmem:s24], [sflag:$0xB], $0x4000, $0x38;
	[tilespmem:$0x1C400] =	vst v63  }
0x76: {  	_ =	swait.ge [sflag:s7], $0x4000  }
0x77: {  	[sflag:s7] =	ssyncset.done $0x0  }
0x78: {  	[sflag:s7] =	ssyncadd.s32 $0xFFFFC000  }
0x79: {  	[tilespmem:s18], [sflag:$0x7] =	stream.indirect.gather [hbm4b:s3+s11], $0x80, s20, s11, $0xb8;
	[tilespmem:$0x1C400] =	vst v63  }
0x7a: {  	_ =	swait.ge [sflag:s26], $0x4000  }
0x7b: {  	[sflag:s26] =	ssyncset.done $0x0  }
0x7c: {  	s21 =	simm.s32 $0x10400;
	s29 =	rddreg [dreg:$0x14];
	[sflag:s26] =	ssyncadd.s32 $0xFFFFC000  }
0x7d: {  	[hbm4b:s29+s2] =	stream.linear.scatter [tilespmem:s21], [sflag:$0xC], $0x4000, $0x38;
	[tilespmem:$0x1C400] =	vst v63  }
0x7e: {  	_ =	swait.ge [sflag:s12], $0x4000  }
0x7f: {  	[sflag:s12] =	ssyncset.done $0x0  }
0x80: {  	[sflag:s12] =	ssyncadd.s32 $0xFFFFC000  }
0x81: {  	[tilespmem:s5], [sflag:$0x1] =	stream.indirect.gather [hbm4b:s3+s11], $0x80, s16, s11, $0xb8;
	[tilespmem:$0x1C400] =	vst v63  }
0x82: {  	_ =	swait.ge [sflag:s23], $0x4000  }
0x83: {  	[sflag:s23] =	ssyncset.done $0x0  }
0x84: {  	s18 =	simm.s32 $0x14400;
	s31 =	rddreg [dreg:$0x15];
	[sflag:s23] =	ssyncadd.s32 $0xFFFFC000  }
0x85: {  	[hbm4b:s31+s2] =	stream.linear.scatter [tilespmem:s18], [sflag:$0xD], $0x4000, $0x38;
	[tilespmem:$0x1C400] =	vst v63  }
0x86: {  	_ =	swait.ge [sflag:s15], $0x4000  }
0x87: {  	[sflag:s15] =	ssyncset.done $0x0  }
0x88: {  	[sflag:s15] =	ssyncadd.s32 $0xFFFFC000  }
0x89: {  	[tilespmem:s4], [sflag:$0x2] =	stream.indirect.gather [hbm4b:s3+s11], $0x80, s9, s11, $0xb8;
	[tilespmem:$0x1C400] =	vst v63  }
0x8a: {  	_ =	swait.ge [sflag:s19], $0x4000  }
0x8b: {  	[sflag:s19] =	ssyncset.done $0x0  }
0x8c: {  	s16 =	simm.s32 $0x18400;
	s20 =	rddreg [dreg:$0x16];
	[sflag:s19] =	ssyncadd.s32 $0xFFFFC000  }
0x8d: {  	[hbm4b:s20+s2] =	stream.linear.scatter [tilespmem:s16], [sflag:$0xE], $0x4000, $0x38;
	[tilespmem:$0x1C400] =	vst v63  }
0x8e: {  	_ =	swait.ge [sflag:s8], $0x4000  }
0x8f: {  	[sflag:s8] =	ssyncset.done $0x0  }
0x90: {  	s29 =	rddreg [dreg:$0x17];
	[sflag:s8] =	ssyncadd.s32 $0xFFFFC000  }
0x91: {  	[hbm4b:s29+s2] =	stream.linear.scatter [tilespmem:s5], [sflag:$0x8], $0x4000, $0x38;
	[tilespmem:$0x1C400] =	vst v63  }
0x92: {  	_ =	swait.ge [sflag:s6], $0x4000  }
0x93: {  	[sflag:s6] =	ssyncset.done $0x0  }
0x94: {  	s31 =	rddreg [dreg:$0x18];
	[sflag:s6] =	ssyncadd.s32 $0xFFFFC000  }
0x95: {  	[hbm4b:s31+s2] =	stream.linear.scatter [tilespmem:s4], [sflag:$0x9], $0x4000, $0x38;
	[tilespmem:$0x1C400] =	vst v63  }
0x96: {  	_ =	swait.ge [sflag:s12], $0x4000  }
0x97: {  	[sflag:s12] =	ssyncset.done $0x0  }
0x98: {  	[sflag:s12] =	ssyncadd.s32 $0xFFFFC000  }
0x99: {  	_ =	swait.ge [sflag:s15], $0x4000  }
0x9a: {  	[sflag:s15] =	ssyncset.done $0x0  }
0x9b: {  	[sflag:s15] =	ssyncadd.s32 $0xFFFFC000  }
0x9c: {  	_ =	swait.ge [sflag:s14], $0x4000  }
0x9d: {  	[sflag:s14] =	ssyncset.done $0x0  }
0x9e: {  	[sflag:s14] =	ssyncadd.s32 $0xFFFFC000  }
0x9f: {  	_ =	swait.ge [sflag:s13], $0x4000  }
0xa0: {  	[sflag:s13] =	ssyncset.done $0x0  }
0xa1: {  	[sflag:s13] =	ssyncadd.s32 $0xFFFFC000  }
0xa2: {  	_ =	swait.ge [sflag:s10], $0x4000  }
0xa3: {  	[sflag:s10] =	ssyncset.done $0x0  }
0xa4: {  	p1 =	sne.s32 s22, $0x1;
	[sflag:s10] =	ssyncadd.s32 $0xFFFFC000  }
.Ltmp1:
0xa5: {  	_ =	swait.ge [sflag:s0], $0x4000;
	(pc) =	sbr.rel @!p1 .LBB2_6-.Ltmp1, $4  }
0xa6: {  	[sflag:s0] =	ssyncset.done $0x0  }
0xa7: {  	[sflag:s0] =	ssyncadd.s32 $0xFFFFC000  }
0xa8: {  	s22 =	sadd.s32 $0xFFFFFFFF, s22;
	_ =	swait.ge [sflag:s7], $0x4000  }
0xa9: {  	p0 =	por $0x1, $0x1;
	s25 =	rddreg [dreg:$0x8];
	[sflag:s7] =	ssyncset.done $0x0  }
0xaa: {  	s31 =	simm.s32 $0x180  }
0xab: {  	s29 =	simm.s32 $0x200;
	s20 =	simm.s32 $0x280;
	s9 =	simm.s32 $0x380  }
.LBB2_3:
0xac: {  	[sflag:s7] =	ssyncadd.s32 $0xFFFFC000;
	s0 =	simm.s32 $0xF  }
0xad: {  	[tilespmem:s2], [sflag:$0xF] =	stream.linear.gather [hbm4b:s25+s2], $0x400, $0x38;
	[tilespmem:$0x1C400] =	vst v63  }
0xae: {  	_ =	swait.ge [sflag:s0], $0x400  }
0xaf: {  	[sflag:s0] =	ssyncset.done $0x0  }
0xb0: {  	[sflag:s0] =	ssyncadd.s32 $0xFFFFFC00  }
0xb1: {  	[tilespmem:s5], [sflag:$0x1] =	stream.indirect.gather [hbm4b:s17+s11], $0x80, s2, s11, $0xb8;
	[tilespmem:$0x1C400] =	vst v63  }
0xb2: {  	_ = 	snop  }
0xb3: {  	[tilespmem:s4], [sflag:$0x2] =	stream.indirect.gather [hbm4b:s17+s11], $0x80, s11, s11, $0xb8;
	[tilespmem:$0x1C400] =	vst v63  }
0xb4: {  	s0 =	simm.s32 $0x100  }
0xb5: {  	[tilespmem:s28], [sflag:$0x3] =	stream.indirect.gather [hbm4b:s17+s11], $0x80, s0, s11, $0xb8;
	[tilespmem:$0x1C400] =	vst v63  }
0xb6: {  	_ =	swait.ge [sflag:s8], $0x4000  }
0xb7: {  	[sflag:s8] =	ssyncset.done $0x0  }
0xb8: {  	s16 =	rddreg [dreg:$0x9];
	[sflag:s8] =	ssyncadd.s32 $0xFFFFC000  }
0xb9: {  	[hbm4b:s16+s2] =	stream.linear.scatter [tilespmem:s5], [sflag:$0x8], $0x4000, $0x38;
	[tilespmem:$0x1C400] =	vst v63  }
0xba: {  	_ = 	snop  }
0xbb: {  	[tilespmem:s24], [sflag:$0x4] =	stream.indirect.gather [hbm4b:s17+s11], $0x80, s31, s11, $0xb8;
	[tilespmem:$0x1C400] =	vst v63  }
0xbc: {  	_ =	swait.ge [sflag:s6], $0x4000  }
0xbd: {  	[sflag:s6] =	ssyncset.done $0x0  }
0xbe: {  	s7 =	rddreg [dreg:$0xa];
	[sflag:s6] =	ssyncadd.s32 $0xFFFFC000  }
0xbf: {  	[hbm4b:s7+s2] =	stream.linear.scatter [tilespmem:s4], [sflag:$0x9], $0x4000, $0x38;
	[tilespmem:$0x1C400] =	vst v63  }
0xc0: {  	_ = 	snop  }
0xc1: {  	[tilespmem:s21], [sflag:$0x5] =	stream.indirect.gather [hbm4b:s17+s11], $0x80, s29, s11, $0xb8;
	[tilespmem:$0x1C400] =	vst v63  }
0xc2: {  	_ =	swait.ge [sflag:s1], $0x4000  }
0xc3: {  	[sflag:s1] =	ssyncset.done $0x0  }
0xc4: {  	s16 =	rddreg [dreg:$0xb];
	[sflag:s1] =	ssyncadd.s32 $0xFFFFC000  }
0xc5: {  	[hbm4b:s16+s2] =	stream.linear.scatter [tilespmem:s28], [sflag:$0xA], $0x4000, $0x38;
	[tilespmem:$0x1C400] =	vst v63  }
0xc6: {  	_ = 	snop  }
0xc7: {  	[tilespmem:s18], [sflag:$0x6] =	stream.indirect.gather [hbm4b:s17+s11], $0x80, s20, s11, $0xb8;
	[tilespmem:$0x1C400] =	vst v63  }
0xc8: {  	_ =	swait.ge [sflag:s30], $0x4000  }
0xc9: {  	[sflag:s30] =	ssyncset.done $0x0  }
0xca: {  	s21 =	rddreg [dreg:$0xc];
	[sflag:s30] =	ssyncadd.s32 $0xFFFFC000  }
0xcb: {  	[hbm4b:s21+s2] =	stream.linear.scatter [tilespmem:s24], [sflag:$0xB], $0x4000, $0x38;
	[tilespmem:$0x1C400] =	vst v63  }
0xcc: {  	s16 =	simm.s32 $0x300;
	s18 =	simm.s32 $0x18400  }
0xcd: {  	[tilespmem:s18], [sflag:$0x7] =	stream.indirect.gather [hbm4b:s17+s11], $0x80, s16, s11, $0xb8;
	[tilespmem:$0x1C400] =	vst v63  }
0xce: {  	_ =	swait.ge [sflag:s26], $0x4000  }
0xcf: {  	[sflag:s26] =	ssyncset.done $0x0  }
0xd0: {  	s24 =	simm.s32 $0x10400;
	s25 =	rddreg [dreg:$0xd];
	[sflag:s26] =	ssyncadd.s32 $0xFFFFC000  }
0xd1: {  	[hbm4b:s25+s2] =	stream.linear.scatter [tilespmem:s24], [sflag:$0xC], $0x4000, $0x38;
	[tilespmem:$0x1C400] =	vst v63  }
0xd2: {  	_ =	swait.ge [sflag:s12], $0x4000  }
0xd3: {  	[sflag:s12] =	ssyncset.done $0x0  }
0xd4: {  	s7 =	simm.s32 $0x400;
	[sflag:s12] =	ssyncadd.s32 $0xFFFFC000  }
0xd5: {  	[tilespmem:s7], [sflag:$0x1] =	stream.indirect.gather [hbm4b:s17+s11], $0x80, s9, s11, $0xb8;
	[tilespmem:$0x1C400] =	vst v63  }
0xd6: {  	_ =	swait.ge [sflag:s23], $0x4000  }
0xd7: {  	[sflag:s23] =	ssyncset.done $0x0  }
0xd8: {  	s21 =	simm.s32 $0x14400;
	s25 =	rddreg [dreg:$0xe];
	[sflag:s23] =	ssyncadd.s32 $0xFFFFC000  }
0xd9: {  	[hbm4b:s25+s2] =	stream.linear.scatter [tilespmem:s21], [sflag:$0xD], $0x4000, $0x38;
	[tilespmem:$0x1C400] =	vst v63  }
0xda: {  	_ =	swait.ge [sflag:s15], $0x4000  }
0xdb: {  	[sflag:s15] =	ssyncset.done $0x0  }
0xdc: {  	s5 =	simm.s32 $0x4400;
	[sflag:s15] =	ssyncadd.s32 $0xFFFFC000  }
0xdd: {  	[tilespmem:s5], [sflag:$0x2] =	stream.indirect.gather [hbm4b:s3+s11], $0x80, s2, s11, $0xb8;
	[tilespmem:$0x1C400] =	vst v63  }
0xde: {  	_ =	swait.ge [sflag:s19], $0x4000  }
0xdf: {  	[sflag:s19] =	ssyncset.done $0x0  }
0xe0: {  	s25 =	rddreg [dreg:$0xf];
	[sflag:s19] =	ssyncadd.s32 $0xFFFFC000  }
0xe1: {  	[hbm4b:s25+s2] =	stream.linear.scatter [tilespmem:s18], [sflag:$0xE], $0x4000, $0x38;
	[tilespmem:$0x1C400] =	vst v63  }
0xe2: {  	_ =	swait.ge [sflag:s14], $0x4000  }
0xe3: {  	[sflag:s14] =	ssyncset.done $0x0  }
0xe4: {  	s4 =	simm.s32 $0x8400;
	[sflag:s14] =	ssyncadd.s32 $0xFFFFC000  }
0xe5: {  	[tilespmem:s4], [sflag:$0x3] =	stream.indirect.gather [hbm4b:s3+s11], $0x80, s11, s11, $0xb8;
	[tilespmem:$0x1C400] =	vst v63  }
0xe6: {  	_ =	swait.ge [sflag:s8], $0x4000  }
0xe7: {  	[sflag:s8] =	ssyncset.done $0x0  }
0xe8: {  	s5 =	simm.s32 $0x400;
	s25 =	rddreg [dreg:$0x10];
	[sflag:s8] =	ssyncadd.s32 $0xFFFFC000  }
0xe9: {  	[hbm4b:s25+s2] =	stream.linear.scatter [tilespmem:s5], [sflag:$0x8], $0x4000, $0x38;
	[tilespmem:$0x1C400] =	vst v63  }
0xea: {  	_ =	swait.ge [sflag:s13], $0x4000  }
0xeb: {  	[sflag:s13] =	ssyncset.done $0x0  }
0xec: {  	s28 =	simm.s32 $0xC400;
	[sflag:s13] =	ssyncadd.s32 $0xFFFFC000  }
0xed: {  	[tilespmem:s28], [sflag:$0x4] =	stream.indirect.gather [hbm4b:s3+s11], $0x80, s0, s11, $0xb8;
	[tilespmem:$0x1C400] =	vst v63  }
0xee: {  	_ =	swait.ge [sflag:s6], $0x4000  }
0xef: {  	[sflag:s6] =	ssyncset.done $0x0  }
0xf0: {  	s4 =	simm.s32 $0x4400;
	s0 =	rddreg [dreg:$0x11];
	[sflag:s6] =	ssyncadd.s32 $0xFFFFC000  }
0xf1: {  	[hbm4b:s0+s2] =	stream.linear.scatter [tilespmem:s4], [sflag:$0x9], $0x4000, $0x38;
	[tilespmem:$0x1C400] =	vst v63  }
0xf2: {  	_ =	swait.ge [sflag:s10], $0x4000  }
0xf3: {  	[sflag:s10] =	ssyncset.done $0x0  }
0xf4: {  	[sflag:s10] =	ssyncadd.s32 $0xFFFFC000  }
0xf5: {  	[tilespmem:s24], [sflag:$0x5] =	stream.indirect.gather [hbm4b:s3+s11], $0x80, s31, s11, $0xb8;
	[tilespmem:$0x1C400] =	vst v63  }
0xf6: {  	_ =	swait.ge [sflag:s1], $0x4000  }
0xf7: {  	s28 =	simm.s32 $0x8400;
	[sflag:s1] =	ssyncset.done $0x0  }
0xf8: {  	s0 =	simm.s32 $0xD;
	s25 =	rddreg [dreg:$0x12];
	[sflag:s1] =	ssyncadd.s32 $0xFFFFC000  }
0xf9: {  	[hbm4b:s25+s2] =	stream.linear.scatter [tilespmem:s28], [sflag:$0xA], $0x4000, $0x38;
	[tilespmem:$0x1C400] =	vst v63  }
0xfa: {  	_ =	swait.ge [sflag:s0], $0x4000  }
0xfb: {  	[sflag:s0] =	ssyncset.done $0x0  }
0xfc: {  	[sflag:s0] =	ssyncadd.s32 $0xFFFFC000  }
0xfd: {  	[tilespmem:s21], [sflag:$0x6] =	stream.indirect.gather [hbm4b:s3+s11], $0x80, s29, s11, $0xb8;
	[tilespmem:$0x1C400] =	vst v63  }
0xfe: {  	_ =	swait.ge [sflag:s30], $0x4000  }
0xff: {  	s7 =	simm.s32 $0xE;
	[sflag:s30] =	ssyncset.done $0x0  }
0x100: {  	s24 =	simm.s32 $0xC400;
	s25 =	rddreg [dreg:$0x13];
	[sflag:s30] =	ssyncadd.s32 $0xFFFFC000  }
0x101: {  	[hbm4b:s25+s2] =	stream.linear.scatter [tilespmem:s24], [sflag:$0xB], $0x4000, $0x38;
	[tilespmem:$0x1C400] =	vst v63  }
0x102: {  	_ =	swait.ge [sflag:s7], $0x4000  }
0x103: {  	[sflag:s7] =	ssyncset.done $0x0  }
0x104: {  	[sflag:s7] =	ssyncadd.s32 $0xFFFFC000  }
0x105: {  	[tilespmem:s18], [sflag:$0x7] =	stream.indirect.gather [hbm4b:s3+s11], $0x80, s20, s11, $0xb8;
	[tilespmem:$0x1C400] =	vst v63  }
0x106: {  	_ =	swait.ge [sflag:s26], $0x4000  }
0x107: {  	[sflag:s26] =	ssyncset.done $0x0  }
0x108: {  	s21 =	simm.s32 $0x10400;
	s25 =	rddreg [dreg:$0x14];
	[sflag:s26] =	ssyncadd.s32 $0xFFFFC000  }
0x109: {  	[hbm4b:s25+s2] =	stream.linear.scatter [tilespmem:s21], [sflag:$0xC], $0x4000, $0x38;
	[tilespmem:$0x1C400] =	vst v63  }
0x10a: {  	_ =	swait.ge [sflag:s12], $0x4000  }
0x10b: {  	[sflag:s12] =	ssyncset.done $0x0  }
0x10c: {  	[sflag:s12] =	ssyncadd.s32 $0xFFFFC000  }
0x10d: {  	[tilespmem:s5], [sflag:$0x1] =	stream.indirect.gather [hbm4b:s3+s11], $0x80, s16, s11, $0xb8;
	[tilespmem:$0x1C400] =	vst v63  }
0x10e: {  	_ =	swait.ge [sflag:s23], $0x4000  }
0x10f: {  	[sflag:s23] =	ssyncset.done $0x0  }
0x110: {  	s18 =	simm.s32 $0x14400;
	s25 =	rddreg [dreg:$0x15];
	[sflag:s23] =	ssyncadd.s32 $0xFFFFC000  }
0x111: {  	[hbm4b:s25+s2] =	stream.linear.scatter [tilespmem:s18], [sflag:$0xD], $0x4000, $0x38;
	[tilespmem:$0x1C400] =	vst v63  }
0x112: {  	_ =	swait.ge [sflag:s15], $0x4000  }
0x113: {  	[sflag:s15] =	ssyncset.done $0x0  }
0x114: {  	[sflag:s15] =	ssyncadd.s32 $0xFFFFC000  }
0x115: {  	[tilespmem:s4], [sflag:$0x2] =	stream.indirect.gather [hbm4b:s3+s11], $0x80, s9, s11, $0xb8;
	[tilespmem:$0x1C400] =	vst v63  }
0x116: {  	_ =	swait.ge [sflag:s19], $0x4000  }
0x117: {  	[sflag:s19] =	ssyncset.done $0x0  }
0x118: {  	s16 =	simm.s32 $0x18400;
	s25 =	rddreg [dreg:$0x16];
	[sflag:s19] =	ssyncadd.s32 $0xFFFFC000  }
0x119: {  	[hbm4b:s25+s2] =	stream.linear.scatter [tilespmem:s16], [sflag:$0xE], $0x4000, $0x38;
	[tilespmem:$0x1C400] =	vst v63  }
0x11a: {  	_ =	swait.ge [sflag:s8], $0x4000  }
0x11b: {  	[sflag:s8] =	ssyncset.done $0x0  }
0x11c: {  	s25 =	rddreg [dreg:$0x17];
	[sflag:s8] =	ssyncadd.s32 $0xFFFFC000  }
0x11d: {  	[hbm4b:s25+s2] =	stream.linear.scatter [tilespmem:s5], [sflag:$0x8], $0x4000, $0x38;
	[tilespmem:$0x1C400] =	vst v63  }
0x11e: {  	_ =	swait.ge [sflag:s6], $0x4000  }
0x11f: {  	[sflag:s6] =	ssyncset.done $0x0  }
0x120: {  	s25 =	rddreg [dreg:$0x18];
	[sflag:s6] =	ssyncadd.s32 $0xFFFFC000  }
0x121: {  	[hbm4b:s25+s2] =	stream.linear.scatter [tilespmem:s4], [sflag:$0x9], $0x4000, $0x38;
	[tilespmem:$0x1C400] =	vst v63  }
0x122: {  	_ =	swait.ge [sflag:s12], $0x4000  }
0x123: {  	[sflag:s12] =	ssyncset.done $0x0  }
0x124: {  	[sflag:s12] =	ssyncadd.s32 $0xFFFFC000  }
0x125: {  	_ =	swait.ge [sflag:s15], $0x4000  }
0x126: {  	[sflag:s15] =	ssyncset.done $0x0  }
0x127: {  	[sflag:s15] =	ssyncadd.s32 $0xFFFFC000  }
0x128: {  	_ =	swait.ge [sflag:s14], $0x4000  }
0x129: {  	[sflag:s14] =	ssyncset.done $0x0  }
0x12a: {  	[sflag:s14] =	ssyncadd.s32 $0xFFFFC000  }
0x12b: {  	_ =	swait.ge [sflag:s13], $0x4000  }
0x12c: {  	[sflag:s13] =	ssyncset.done $0x0  }
0x12d: {  	[sflag:s13] =	ssyncadd.s32 $0xFFFFC000  }
0x12e: {  	_ =	swait.ge [sflag:s10], $0x4000  }
0x12f: {  	[sflag:s10] =	ssyncset.done $0x0  }
0x130: {  	p1 =	sne.s32 s22, $0x1;
	[sflag:s10] =	ssyncadd.s32 $0xFFFFC000  }
.Ltmp2:
0x131: {  	_ =	swait.ge [sflag:s0], $0x4000;
	(pc) =	sbr.rel @p1 .LBB2_3-.Ltmp2, $4  }
0x132: {  	[sflag:s0] =	ssyncset.done $0x0  }
0x133: {  	[sflag:s0] =	ssyncadd.s32 $0xFFFFC000  }
0x134: {  	_ =	swait.ge [sflag:s7], $0x4000  }
0x135: {  	s22 =	sadd.s32 $0xFFFFFFFF, s22;
	s25 =	rddreg [dreg:$0x8];
	[sflag:s7] =	ssyncset.done $0x0  }
0x136: {  	s0 =	simm.s32 $0xF  }
.LBB2_5:
0x137: {  	[sflag:s7] =	ssyncadd.s32 @p0 $0xFFFFC000  }
0x138: {  	[tilespmem:s2], [sflag:$0xF] =	stream.linear.gather [hbm4b:s25+s2], $0x400, $0x38;
	[tilespmem:$0x1C400] =	vst v63  }
0x139: {  	_ =	swait.ge [sflag:s0], $0x400  }
0x13a: {  	[sflag:s0] =	ssyncset.done $0x0  }
0x13b: {  	[sflag:s0] =	ssyncadd.s32 $0xFFFFFC00  }
0x13c: {  	[tilespmem:s5], [sflag:$0x1] =	stream.indirect.gather [hbm4b:s17+s11], $0x80, s2, s11, $0xb8;
	[tilespmem:$0x1C400] =	vst v63  }
0x13d: {  	_ = 	snop  }
0x13e: {  	[tilespmem:s4], [sflag:$0x2] =	stream.indirect.gather [hbm4b:s17+s11], $0x80, s11, s11, $0xb8;
	[tilespmem:$0x1C400] =	vst v63  }
0x13f: {  	s0 =	simm.s32 $0x100  }
0x140: {  	[tilespmem:s28], [sflag:$0x3] =	stream.indirect.gather [hbm4b:s17+s11], $0x80, s0, s11, $0xb8;
	[tilespmem:$0x1C400] =	vst v63  }
0x141: {  	_ =	swait.ge [sflag:s8], $0x4000  }
0x142: {  	[sflag:s8] =	ssyncset.done $0x0  }
0x143: {  	s20 =	rddreg [dreg:$0x9];
	[sflag:s8] =	ssyncadd.s32 $0xFFFFC000  }
0x144: {  	[hbm4b:s20+s2] =	stream.linear.scatter [tilespmem:s5], [sflag:$0x8], $0x4000, $0x38;
	[tilespmem:$0x1C400] =	vst v63  }
0x145: {  	s31 =	simm.s32 $0x180  }
0x146: {  	[tilespmem:s24], [sflag:$0x4] =	stream.indirect.gather [hbm4b:s17+s11], $0x80, s31, s11, $0xb8;
	[tilespmem:$0x1C400] =	vst v63  }
0x147: {  	_ =	swait.ge [sflag:s6], $0x4000  }
0x148: {  	[sflag:s6] =	ssyncset.done $0x0  }
0x149: {  	s29 =	rddreg [dreg:$0xa];
	[sflag:s6] =	ssyncadd.s32 $0xFFFFC000  }
0x14a: {  	[hbm4b:s29+s2] =	stream.linear.scatter [tilespmem:s4], [sflag:$0x9], $0x4000, $0x38;
	[tilespmem:$0x1C400] =	vst v63  }
0x14b: {  	s29 =	simm.s32 $0x200  }
0x14c: {  	[tilespmem:s21], [sflag:$0x5] =	stream.indirect.gather [hbm4b:s17+s11], $0x80, s29, s11, $0xb8;
	[tilespmem:$0x1C400] =	vst v63  }
0x14d: {  	_ =	swait.ge [sflag:s1], $0x4000  }
0x14e: {  	[sflag:s1] =	ssyncset.done $0x0  }
0x14f: {  	s9 =	rddreg [dreg:$0xb];
	[sflag:s1] =	ssyncadd.s32 $0xFFFFC000  }
0x150: {  	[hbm4b:s9+s2] =	stream.linear.scatter [tilespmem:s28], [sflag:$0xA], $0x4000, $0x38;
	[tilespmem:$0x1C400] =	vst v63  }
0x151: {  	s25 =	simm.s32 $0x280  }
0x152: {  	[tilespmem:s18], [sflag:$0x6] =	stream.indirect.gather [hbm4b:s17+s11], $0x80, s25, s11, $0xb8;
	[tilespmem:$0x1C400] =	vst v63  }
0x153: {  	_ =	swait.ge [sflag:s30], $0x4000  }
0x154: {  	[sflag:s30] =	ssyncset.done $0x0  }
0x155: {  	s22 =	rddreg [dreg:$0xc];
	[sflag:s30] =	ssyncadd.s32 $0xFFFFC000  }
0x156: {  	[hbm4b:s22+s2] =	stream.linear.scatter [tilespmem:s24], [sflag:$0xB], $0x4000, $0x38;
	[tilespmem:$0x1C400] =	vst v63  }
0x157: {  	s22 =	simm.s32 $0x300  }
0x158: {  	[tilespmem:s16], [sflag:$0x7] =	stream.indirect.gather [hbm4b:s17+s11], $0x80, s22, s11, $0xb8;
	[tilespmem:$0x1C400] =	vst v63  }
0x159: {  	_ =	swait.ge [sflag:s26], $0x4000  }
0x15a: {  	[sflag:s26] =	ssyncset.done $0x0  }
0x15b: {  	s9 =	rddreg [dreg:$0xd];
	[sflag:s26] =	ssyncadd.s32 $0xFFFFC000  }
0x15c: {  	[hbm4b:s9+s2] =	stream.linear.scatter [tilespmem:s21], [sflag:$0xC], $0x4000, $0x38;
	[tilespmem:$0x1C400] =	vst v63  }
0x15d: {  	_ =	swait.ge [sflag:s12], $0x4000  }
0x15e: {  	[sflag:s12] =	ssyncset.done $0x0  }
0x15f: {  	s20 =	simm.s32 $0x380;
	[sflag:s12] =	ssyncadd.s32 $0xFFFFC000  }
0x160: {  	[tilespmem:s5], [sflag:$0x1] =	stream.indirect.gather [hbm4b:s17+s11], $0x80, s20, s11, $0xb8;
	[tilespmem:$0x1C400] =	vst v63  }
0x161: {  	_ =	swait.ge [sflag:s23], $0x4000  }
0x162: {  	[sflag:s23] =	ssyncset.done $0x0  }
0x163: {  	s9 =	rddreg [dreg:$0xe];
	[sflag:s23] =	ssyncadd.s32 $0xFFFFC000  }
0x164: {  	[hbm4b:s9+s2] =	stream.linear.scatter [tilespmem:s18], [sflag:$0xD], $0x4000, $0x38;
	[tilespmem:$0x1C400] =	vst v63  }
0x165: {  	_ =	swait.ge [sflag:s15], $0x4000  }
0x166: {  	[sflag:s15] =	ssyncset.done $0x0  }
0x167: {  	[sflag:s15] =	ssyncadd.s32 $0xFFFFC000  }
0x168: {  	[tilespmem:s4], [sflag:$0x2] =	stream.indirect.gather [hbm4b:s3+s11], $0x80, s2, s11, $0xb8;
	[tilespmem:$0x1C400] =	vst v63  }
0x169: {  	_ =	swait.ge [sflag:s19], $0x4000  }
0x16a: {  	[sflag:s19] =	ssyncset.done $0x0  }
0x16b: {  	s9 =	rddreg [dreg:$0xf];
	[sflag:s19] =	ssyncadd.s32 $0xFFFFC000  }
0x16c: {  	[hbm4b:s9+s2] =	stream.linear.scatter [tilespmem:s16], [sflag:$0xE], $0x4000, $0x38;
	[tilespmem:$0x1C400] =	vst v63  }
0x16d: {  	_ =	swait.ge [sflag:s14], $0x4000  }
0x16e: {  	[sflag:s14] =	ssyncset.done $0x0  }
0x16f: {  	[sflag:s14] =	ssyncadd.s32 $0xFFFFC000  }
0x170: {  	[tilespmem:s28], [sflag:$0x3] =	stream.indirect.gather [hbm4b:s3+s11], $0x80, s11, s11, $0xb8;
	[tilespmem:$0x1C400] =	vst v63  }
0x171: {  	_ =	swait.ge [sflag:s8], $0x4000  }
0x172: {  	[sflag:s8] =	ssyncset.done $0x0  }
0x173: {  	s9 =	rddreg [dreg:$0x10];
	[sflag:s8] =	ssyncadd.s32 $0xFFFFC000  }
0x174: {  	[hbm4b:s9+s2] =	stream.linear.scatter [tilespmem:s5], [sflag:$0x8], $0x4000, $0x38;
	[tilespmem:$0x1C400] =	vst v63  }
0x175: {  	_ =	swait.ge [sflag:s13], $0x4000  }
0x176: {  	[sflag:s13] =	ssyncset.done $0x0  }
0x177: {  	[sflag:s13] =	ssyncadd.s32 $0xFFFFC000  }
0x178: {  	[tilespmem:s24], [sflag:$0x4] =	stream.indirect.gather [hbm4b:s3+s11], $0x80, s0, s11, $0xb8;
	[tilespmem:$0x1C400] =	vst v63  }
0x179: {  	_ =	swait.ge [sflag:s6], $0x4000  }
0x17a: {  	[sflag:s6] =	ssyncset.done $0x0  }
0x17b: {  	s17 =	rddreg [dreg:$0x11];
	[sflag:s6] =	ssyncadd.s32 $0xFFFFC000  }
0x17c: {  	[hbm4b:s17+s2] =	stream.linear.scatter [tilespmem:s4], [sflag:$0x9], $0x4000, $0x38;
	[tilespmem:$0x1C400] =	vst v63  }
0x17d: {  	_ =	swait.ge [sflag:s10], $0x4000  }
0x17e: {  	[sflag:s10] =	ssyncset.done $0x0  }
0x17f: {  	[sflag:s10] =	ssyncadd.s32 $0xFFFFC000  }
0x180: {  	[tilespmem:s21], [sflag:$0x5] =	stream.indirect.gather [hbm4b:s3+s11], $0x80, s31, s11, $0xb8;
	[tilespmem:$0x1C400] =	vst v63  }
0x181: {  	_ =	swait.ge [sflag:s1], $0x4000  }
0x182: {  	[sflag:s1] =	ssyncset.done $0x0  }
0x183: {  	s9 =	simm.s32 $0xD;
	s31 =	rddreg [dreg:$0x12];
	[sflag:s1] =	ssyncadd.s32 $0xFFFFC000  }
0x184: {  	[hbm4b:s31+s2] =	stream.linear.scatter [tilespmem:s28], [sflag:$0xA], $0x4000, $0x38;
	[tilespmem:$0x1C400] =	vst v63  }
0x185: {  	_ =	swait.ge [sflag:s9], $0x4000  }
0x186: {  	[sflag:s9] =	ssyncset.done $0x0  }
0x187: {  	[sflag:s9] =	ssyncadd.s32 $0xFFFFC000  }
0x188: {  	[tilespmem:s18], [sflag:$0x6] =	stream.indirect.gather [hbm4b:s3+s11], $0x80, s29, s11, $0xb8;
	[tilespmem:$0x1C400] =	vst v63  }
0x189: {  	_ =	swait.ge [sflag:s30], $0x4000  }
0x18a: {  	[sflag:s30] =	ssyncset.done $0x0  }
0x18b: {  	s17 =	rddreg [dreg:$0x13];
	[sflag:s30] =	ssyncadd.s32 $0xFFFFC000  }
0x18c: {  	[hbm4b:s17+s2] =	stream.linear.scatter [tilespmem:s24], [sflag:$0xB], $0x4000, $0x38;
	[tilespmem:$0x1C400] =	vst v63  }
0x18d: {  	_ =	swait.ge [sflag:s7], $0x4000  }
0x18e: {  	[sflag:s7] =	ssyncset.done $0x0  }
0x18f: {  	[sflag:s7] =	ssyncadd.s32 $0xFFFFC000  }
0x190: {  	[tilespmem:s16], [sflag:$0x7] =	stream.indirect.gather [hbm4b:s3+s11], $0x80, s25, s11, $0xb8;
	[tilespmem:$0x1C400] =	vst v63  }
0x191: {  	_ =	swait.ge [sflag:s26], $0x4000  }
0x192: {  	[sflag:s26] =	ssyncset.done $0x0  }
0x193: {  	s25 =	rddreg [dreg:$0x14];
	[sflag:s26] =	ssyncadd.s32 $0xFFFFC000  }
0x194: {  	[hbm4b:s25+s2] =	stream.linear.scatter [tilespmem:s21], [sflag:$0xC], $0x4000, $0x38;
	[tilespmem:$0x1C400] =	vst v63  }
0x195: {  	_ =	swait.ge [sflag:s12], $0x4000  }
0x196: {  	[sflag:s12] =	ssyncset.done $0x0  }
0x197: {  	[sflag:s12] =	ssyncadd.s32 $0xFFFFC000  }
0x198: {  	[tilespmem:s5], [sflag:$0x1] =	stream.indirect.gather [hbm4b:s3+s11], $0x80, s22, s11, $0xb8;
	[tilespmem:$0x1C400] =	vst v63  }
0x199: {  	_ =	swait.ge [sflag:s23], $0x4000  }
0x19a: {  	[sflag:s23] =	ssyncset.done $0x0  }
0x19b: {  	s26 =	rddreg [dreg:$0x15];
	[sflag:s23] =	ssyncadd.s32 $0xFFFFC000  }
0x19c: {  	[hbm4b:s26+s2] =	stream.linear.scatter [tilespmem:s18], [sflag:$0xD], $0x4000, $0x38;
	[tilespmem:$0x1C400] =	vst v63  }
0x19d: {  	_ =	swait.ge [sflag:s15], $0x4000  }
0x19e: {  	[sflag:s15] =	ssyncset.done $0x0  }
0x19f: {  	[sflag:s15] =	ssyncadd.s32 $0xFFFFC000  }
0x1a0: {  	[tilespmem:s4], [sflag:$0x2] =	stream.indirect.gather [hbm4b:s3+s11], $0x80, s20, s11, $0xb8;
	[tilespmem:$0x1C400] =	vst v63  }
0x1a1: {  	_ =	swait.ge [sflag:s19], $0x4000  }
0x1a2: {  	[sflag:s19] =	ssyncset.done $0x0  }
0x1a3: {  	s28 =	rddreg [dreg:$0x16];
	[sflag:s19] =	ssyncadd.s32 $0xFFFFC000  }
0x1a4: {  	[hbm4b:s28+s2] =	stream.linear.scatter [tilespmem:s16], [sflag:$0xE], $0x4000, $0x38;
	[tilespmem:$0x1C400] =	vst v63  }
0x1a5: {  	_ =	swait.ge [sflag:s8], $0x4000  }
0x1a6: {  	[sflag:s8] =	ssyncset.done $0x0  }
0x1a7: {  	s29 =	rddreg [dreg:$0x17];
	[sflag:s8] =	ssyncadd.s32 $0xFFFFC000  }
0x1a8: {  	[hbm4b:s29+s2] =	stream.linear.scatter [tilespmem:s5], [sflag:$0x8], $0x4000, $0x38;
	[tilespmem:$0x1C400] =	vst v63  }
0x1a9: {  	_ =	swait.ge [sflag:s6], $0x4000  }
0x1aa: {  	[sflag:s6] =	ssyncset.done $0x0  }
0x1ab: {  	s30 =	rddreg [dreg:$0x18];
	[sflag:s6] =	ssyncadd.s32 $0xFFFFC000  }
0x1ac: {  	[hbm4b:s30+s2] =	stream.linear.scatter [tilespmem:s4], [sflag:$0x9], $0x4000, $0x38;
	[tilespmem:$0x1C400] =	vst v63  }
0x1ad: {  	_ =	swait.ge [sflag:s12], $0x4000  }
0x1ae: {  	[sflag:s12] =	ssyncset.done $0x0  }
0x1af: {  	[sflag:s12] =	ssyncadd.s32 $0xFFFFC000  }
0x1b0: {  	_ =	swait.ge [sflag:s15], $0x4000  }
0x1b1: {  	[sflag:s15] =	ssyncset.done $0x0  }
0x1b2: {  	[sflag:s15] =	ssyncadd.s32 $0xFFFFC000  }
0x1b3: {  	_ =	swait.ge [sflag:s14], $0x4000  }
0x1b4: {  	[sflag:s14] =	ssyncset.done $0x0  }
0x1b5: {  	[sflag:s14] =	ssyncadd.s32 $0xFFFFC000  }
0x1b6: {  	_ =	swait.ge [sflag:s13], $0x4000  }
0x1b7: {  	[sflag:s13] =	ssyncset.done $0x0  }
0x1b8: {  	[sflag:s13] =	ssyncadd.s32 $0xFFFFC000  }
0x1b9: {  	_ =	swait.ge [sflag:s10], $0x4000  }
0x1ba: {  	[sflag:s10] =	ssyncset.done $0x0  }
0x1bb: {  	[sflag:s10] =	ssyncadd.s32 $0xFFFFC000  }
0x1bc: {  	_ =	swait.ge [sflag:s9], $0x4000  }
0x1bd: {  	[sflag:s9] =	ssyncset.done $0x0  }
0x1be: {  	[sflag:s9] =	ssyncadd.s32 $0xFFFFC000  }
0x1bf: {  	_ =	swait.ge [sflag:s7], $0x4000  }
0x1c0: {  	[sflag:s7] =	ssyncset.done $0x0  }
0x1c1: {  	[sflag:s7] =	ssyncadd.s32 $0xFFFFC000  }
0x1c2: {  	_ =	sfence.sel $0x180000  }
0x1c3: {  	[bflag:$0x0] =	sbarrier.arrive $0xFFFF  }
0x1c4: {  	_ =	strace $0x90000047  }
0x1c5: {  	s31 =	stileid.u32;
	[bflag:$0x2] =	sbarrier.arrive $0xFFFF  }
0x1c6: {  	p0 =	sne.s32 s31, $0x0;
	s0 =	rddreg [dreg:$0x7]  }
0x1c7: {  	s0 =	sadd.s32 @!p0 $0x100000, s0  }
0x1c8: {  	[sflag:s0] =	ssyncadd.tile.s32 @!p0 $0x1;
	_ =	shalt  }
.LBB2_6:
.Ltmp3:
0x1c9: {  	(pc) =	sbr.rel .LBB2_5-.Ltmp3, $2  }
0x1ca: {  	_ =	sdelay $0x2  }
0x1cb: {  	s0 =	simm.s32 $0xF  }
.Lfunc_end2:
_tile_overlayer_lowered:
.L_overlay_start_2:
0x1cc: {  	(tag) =	ssettag $0x2  }
0x1cd: {  	s0 =	rddreg [dreg:$0x0];
	s2 =	stileid.u32  }
0x1ce: {  	s1 =	rddreg [dreg:$0x1];
	p0 =	sne.s32 s2, $0x0  }
0x1cf: {  	s3 =	rddreg [dreg:$0x2];
	[bflag:$0x3] =	sbarrier.arrive $0xFFFF;
	s2 =	simm.s32 @!p0 $0x1C0F  }
0x1d0: {  	[timem:s3], [sflag:s2] =	dma.local @!p0 [hbm:s0], s1  }
0x1d1: {  	s0 =	simm.s32 @!p0 $0xF  }
0x1d2: {  	_ =	swait.ge @!p0 [sflag:s0], s1  }
0x1d3: {  	s1 =	ssub.s32 @!p0 $0x0, s1;
	[sflag:s0] =	ssyncset.done @!p0 $0x0  }
0x1d4: {  	[sflag:s0] =	ssyncadd.s32 @!p0 s1  }
0x1d5: {  	[bflag:$0x3] =	sbarrier.arrive $0xFFFF  }
0x1d6: {  	_ =	shalt  }

</sc_bundles>
